<compile_context>
chip_gen: v7x
topology: tpu7x:2x2x1
jax: 0.10.2.dev20260603
libtpu: 0.0.44.dev20260713+nightly
codegen_flags: <defaults>
</compile_context>

<pallas_src>
import functools

import jax
import jax.numpy as jnp
from jax import lax
from jax.experimental import pallas as pl
from jax.experimental.pallas import tpu as pltpu
from jax.experimental.pallas import tpu_sc as plsc

SR6 = 1.281
SR8 = 1.094
NELEM = 95

NC = 2
NS = 16
NW = NC * NS
L = 16

TABLE_PAD = 9040
CHUNK = 6400
UNROLL = 4


def _sc_zero_damp(P, species12, distances, table, coef_a, flag):
    n_chunks = P // CHUNK
    assert n_chunks >= 3 * NW
    n_trips = -(-n_chunks // (3 * NW))

    mesh = plsc.VectorSubcoreMesh(core_axis_name="c", subcore_axis_name="s")

    @functools.partial(
        pl.kernel,
        mesh=mesh,
        compiler_params=pltpu.CompilerParams(needs_layout_passes=False),
        out_type=jax.ShapeDtypeStruct((P,), jnp.float32),
        scratch_types=[
            pltpu.VMEM((TABLE_PAD,), jnp.float32),
            pltpu.VMEM((L,), jnp.float32),
            pltpu.VMEM((L,), jnp.float32),
            pltpu.VMEM((2, CHUNK), jnp.int32),
            pltpu.VMEM((2, CHUNK), jnp.int32),
            pltpu.VMEM((2, CHUNK), jnp.int32),
            pltpu.VMEM((CHUNK,), jnp.float32),
            pltpu.VMEM((CHUNK,), jnp.float32),
            pltpu.VMEM((CHUNK,), jnp.float32),
            pltpu.VMEM((CHUNK,), jnp.float32),
            pltpu.VMEM((CHUNK,), jnp.float32),
            pltpu.VMEM((CHUNK,), jnp.float32),
            pltpu.SemaphoreType.DMA,
            pltpu.SemaphoreType.DMA,
            pltpu.SemaphoreType.DMA,
            pltpu.SemaphoreType.DMA,
            pltpu.SemaphoreType.DMA,
            pltpu.SemaphoreType.DMA,
            pltpu.SemaphoreType.DMA,
        ],
    )
    def k(s12_hbm, d_hbm, table_hbm, coef_hbm, flag_hbm, out_hbm,
          table_v, coef_v, flag_v, s12a, s12b, s12c, da, db, dc,
          oa, ob, oc, sia, sib, sic, soa, sob, soc, sp):
        wid = lax.axis_index("c") * NS + lax.axis_index("s")

        def in_copies(c, s12_v, d_v, sem):
            off = c * CHUNK
            return (
                pltpu.make_async_copy(
                    s12_hbm.at[:, pl.ds(off, CHUNK)], s12_v, sem),
                pltpu.make_async_copy(d_hbm.at[pl.ds(off, CHUNK)], d_v, sem),
            )

        def out_copy(c, o_v, sem):
            return pltpu.make_async_copy(
                o_v, out_hbm.at[pl.ds(c * CHUNK, CHUNK)], sem)

        def compute(s12_v, d_v, o_v):
            @plsc.parallel_loop(0, CHUNK, step=L, unroll=UNROLL)
            def do_vec(i):
                s0 = s12_v[0, pl.ds(i, L)]
                s1 = s12_v[1, pl.ds(i, L)]
                d = d_v[pl.ds(i, L)]
                idx = s0 * NELEM + s1
                cr = plsc.load_gather(table_v, [idx])
                m = cr / (cr + coef * d)
                w = d * m
                w2 = w * w
                m2 = m * m
                m4 = m2 * m2
                w4 = w2 * w2
                r6 = (w4 * w2) * (m4 * m4)
                o_v[pl.ds(i, L)] = jnp.where(use_r8, r6 * w2, r6)

        rings = (
            (s12a, da, oa, sia, soa),
            (s12b, db, ob, sib, sob),
            (s12c, dc, oc, sic, soc),
        )

        prologue = [
            pltpu.make_async_copy(table_hbm, table_v, sp),
            pltpu.make_async_copy(coef_hbm, coef_v, sp),
            pltpu.make_async_copy(flag_hbm, flag_v, sp),
        ]
        for cp in prologue:
            cp.start()
        for cp in in_copies(wid, s12a, da, sia):
            cp.start()
        for cp in in_copies(wid + NW, s12b, db, sib):
            cp.start()
        for cp in prologue:
            cp.wait()

        coef = coef_v[...]
        use_r8 = flag_v[...] < 0.5

        def body(t, carry):
            for j in range(3):
                s12_v, d_v, o_v, si, so = rings[j]
                s12_p, d_p, _, si_p, _ = rings[(j + 2) % 3]
                c = wid + (3 * t + j) * NW

                @pl.when(c < n_chunks)
                def _(c=c, s12_v=s12_v, d_v=d_v, o_v=o_v, si=si, so=so,
                      s12_p=s12_p, d_p=d_p, si_p=si_p):
                    c2 = c + 2 * NW

                    @pl.when(c2 < n_chunks)
                    def _():
                        for cp in in_copies(c2, s12_p, d_p, si_p):
                            cp.start()

                    for cp in in_copies(c, s12_v, d_v, si):
                        cp.wait()

                    @pl.when(t > 0)
                    def _():
                        out_copy(c - 3 * NW, o_v, so).wait()

                    compute(s12_v, d_v, o_v)
                    out_copy(c, o_v, so).start()

            return carry

        lax.fori_loop(0, n_trips, body, 0)
        out_copy(0, oa, soa).wait()
        out_copy(0, ob, sob).wait()
        out_copy(0, oc, soc).wait()

    return k(species12, distances, table, coef_a, flag)


def kernel(species12, distances, cutoff_radii, order):
    P = distances.shape[0]
    order6 = order == 6
    sr = jnp.where(order6, SR6, SR8).astype(jnp.float32)
    coef_a = jnp.full((L,), 6.0, jnp.float32) / sr
    flag = jnp.where(order6, 1.0, 0.0).astype(jnp.float32) * jnp.ones(
        (L,), jnp.float32)
    table = jnp.pad(cutoff_radii.reshape(-1).astype(jnp.float32),
                    (0, TABLE_PAD - NELEM * NELEM))
    return _sc_zero_damp(P, species12, distances, table, coef_a, flag)

# --- scband reference (transcript-rebuilt; emitter-appended) ---
"""Pipeline reference for scband-zero-damp-74028056313866 (READ-ONLY COPY).

The authoritative reference and input builder live on the scoring server;
editing this copy changes nothing except your own understanding.
"""

import jax, jax.numpy as jnp
import numpy as np

SR6 = 1.281
SR8 = 1.094
NELEM = 95  # SUPPORTED_D3_ELEMENTS + 1
P = 6400000


def setup_inputs(seed: int = 0) -> dict:
    key = jax.random.key(seed)
    k1, k2, k3 = jax.random.split(key, 3)
    species12 = jax.random.randint(k1, (2, P), 0, NELEM, dtype=jnp.int64 if jax.config.jax_enable_x64 else jnp.int32).astype(jnp.int32)
    distances = jax.random.uniform(k2, (P,), dtype=jnp.float32, minval=1.0, maxval=10.0)
    cutoff_radii = jax.random.uniform(k3, (NELEM, NELEM), dtype=jnp.float32, minval=2.0, maxval=6.0)
    cutoff_radii = 0.5 * (cutoff_radii + cutoff_radii.T)  # symmetric physical radii table
    return {"species12": species12, "distances": distances, "cutoff_radii": cutoff_radii, "order": 6}


def reference(species12, distances, cutoff_radii, order):
    # gather per-pair cutoff radii from the element-pair table (embedding-style lookup)
    cr = cutoff_radii[species12[0], species12[1]]
    inner_term6 = distances / (SR6 * cr)
    inner_term8 = distances / (SR8 * cr)
    # use_modified_damp is False -> no beta term
    r6 = jnp.power(distances, 6) * jnp.power(1.0 + 6.0 * inner_term6, -14)
    r8 = jnp.power(distances, 8) * jnp.power(1.0 + 6.0 * inner_term8, -16)
    return jnp.where(order == 6, r6, r8)

if __name__ == "__main__":
    import jax
    _d = setup_inputs()
    print(jax.jit(kernel)(*tuple(_d.values())))

</pallas_src>

<mosaic_0001>
#map = affine_map<(d0, d1) -> (0, 0)>
#map1 = affine_map<(d0, d1) -> (0)>
module attributes {stable_mosaic.version = 14 : i64} {
  func.func @k(%arg0: i32, %arg1: i32, %arg2: memref<2x6400000xi32, #tpu.memory_space<hbm>>, %arg3: memref<6400000xf32, #tpu.memory_space<hbm>>, %arg4: memref<9040xf32, #tpu.memory_space<hbm>>, %arg5: memref<16xf32, #tpu.memory_space<hbm>>, %arg6: memref<16xf32, #tpu.memory_space<hbm>>, %arg7: memref<6400000xf32, #tpu.memory_space<hbm>>, %arg8: memref<9040xf32, #tpu.memory_space<vmem>>, %arg9: memref<16xf32, #tpu.memory_space<vmem>>, %arg10: memref<16xf32, #tpu.memory_space<vmem>>, %arg11: memref<2x6400xi32, #tpu.memory_space<vmem>>, %arg12: memref<2x6400xi32, #tpu.memory_space<vmem>>, %arg13: memref<2x6400xi32, #tpu.memory_space<vmem>>, %arg14: memref<6400xf32, #tpu.memory_space<vmem>>, %arg15: memref<6400xf32, #tpu.memory_space<vmem>>, %arg16: memref<6400xf32, #tpu.memory_space<vmem>>, %arg17: memref<6400xf32, #tpu.memory_space<vmem>>, %arg18: memref<6400xf32, #tpu.memory_space<vmem>>, %arg19: memref<6400xf32, #tpu.memory_space<vmem>>, %arg20: memref<!tpu.dma_semaphore, #tpu.memory_space<semaphore_mem>>, %arg21: memref<!tpu.dma_semaphore, #tpu.memory_space<semaphore_mem>>, %arg22: memref<!tpu.dma_semaphore, #tpu.memory_space<semaphore_mem>>, %arg23: memref<!tpu.dma_semaphore, #tpu.memory_space<semaphore_mem>>, %arg24: memref<!tpu.dma_semaphore, #tpu.memory_space<semaphore_mem>>, %arg25: memref<!tpu.dma_semaphore, #tpu.memory_space<semaphore_mem>>, %arg26: memref<!tpu.dma_semaphore, #tpu.memory_space<semaphore_mem>>) attributes {dimension_semantics = [#tpu.dimension_semantics<core_parallel>, #tpu.dimension_semantics<subcore_parallel>], iteration_bounds = array<i64: 2, 16>, scalar_prefetch = 0 : i64, scratch_operands = 19 : i64, tpu.core_type = #tpu.core_type<sc_vector_subcore>, window_params = [{transform_indices = #map}, {transform_indices = #map1}, {transform_indices = #map1}, {transform_indices = #map1}, {transform_indices = #map1}, {transform_indices = #map1}]} {
    %mul3A = arith.constant 16 : i32
    %mul3A_0 = arith.muli %arg0, %mul3A : i32
    %add3A = arith.addi %mul3A_0, %arg1 : i32
    tpu.enqueue_dma source(%arg4 : memref<9040xf32, #tpu.memory_space<hbm>>) target(%arg8 : memref<9040xf32, #tpu.memory_space<vmem>>) target_semaphore(%arg26 : memref<!tpu.dma_semaphore, #tpu.memory_space<semaphore_mem>>)
    tpu.enqueue_dma source(%arg5 : memref<16xf32, #tpu.memory_space<hbm>>) target(%arg9 : memref<16xf32, #tpu.memory_space<vmem>>) target_semaphore(%arg26 : memref<!tpu.dma_semaphore, #tpu.memory_space<semaphore_mem>>)
    tpu.enqueue_dma source(%arg6 : memref<16xf32, #tpu.memory_space<hbm>>) target(%arg10 : memref<16xf32, #tpu.memory_space<vmem>>) target_semaphore(%arg26 : memref<!tpu.dma_semaphore, #tpu.memory_space<semaphore_mem>>)
    %mul3A_1 = arith.constant 6400 : i32
    %mul3A_2 = arith.muli %add3A, %mul3A_1 : i32
    %dma_start3A = arith.constant 0 : i32
    %dma_start3A_3 = tpu.memref_slice %arg2[%dma_start3A, %mul3A_2] : memref<2x6400000xi32, #tpu.memory_space<hbm>> -> memref<2x6400xi32, #tpu.memory_space<hbm>>
    %dma_start3A_4 = arith.constant 0 : i32
    %dma_start3A_5 = tpu.memref_slice %arg2[%dma_start3A_4, %mul3A_2] : memref<2x6400000xi32, #tpu.memory_space<hbm>> -> memref<2x6400xi32, #tpu.memory_space<hbm>>
    tpu.enqueue_dma source(%dma_start3A_5 : memref<2x6400xi32, #tpu.memory_space<hbm>>) target(%arg11 : memref<2x6400xi32, #tpu.memory_space<vmem>>) target_semaphore(%arg20 : memref<!tpu.dma_semaphore, #tpu.memory_space<semaphore_mem>>)
    %dma_start3A_6 = tpu.memref_slice %arg3[%mul3A_2] : memref<6400000xf32, #tpu.memory_space<hbm>> -> memref<6400xf32, #tpu.memory_space<hbm>>
    %dma_start3A_7 = tpu.memref_slice %arg3[%mul3A_2] : memref<6400000xf32, #tpu.memory_space<hbm>> -> memref<6400xf32, #tpu.memory_space<hbm>>
    tpu.enqueue_dma source(%dma_start3A_7 : memref<6400xf32, #tpu.memory_space<hbm>>) target(%arg14 : memref<6400xf32, #tpu.memory_space<vmem>>) target_semaphore(%arg20 : memref<!tpu.dma_semaphore, #tpu.memory_space<semaphore_mem>>)
    %add3A_8 = arith.constant 32 : i32
    %add3A_9 = arith.addi %add3A, %add3A_8 : i32
    %mul3A_10 = arith.constant 6400 : i32
    %mul3A_11 = arith.muli %add3A_9, %mul3A_10 : i32
    %dma_start3A_12 = arith.constant 0 : i32
    %dma_start3A_13 = tpu.memref_slice %arg2[%dma_start3A_12, %mul3A_11] : memref<2x6400000xi32, #tpu.memory_space<hbm>> -> memref<2x6400xi32, #tpu.memory_space<hbm>>
    %dma_start3A_14 = arith.constant 0 : i32
    %dma_start3A_15 = tpu.memref_slice %arg2[%dma_start3A_14, %mul3A_11] : memref<2x6400000xi32, #tpu.memory_space<hbm>> -> memref<2x6400xi32, #tpu.memory_space<hbm>>
    tpu.enqueue_dma source(%dma_start3A_15 : memref<2x6400xi32, #tpu.memory_space<hbm>>) target(%arg12 : memref<2x6400xi32, #tpu.memory_space<vmem>>) target_semaphore(%arg21 : memref<!tpu.dma_semaphore, #tpu.memory_space<semaphore_mem>>)
    %dma_start3A_16 = tpu.memref_slice %arg3[%mul3A_11] : memref<6400000xf32, #tpu.memory_space<hbm>> -> memref<6400xf32, #tpu.memory_space<hbm>>
    %dma_start3A_17 = tpu.memref_slice %arg3[%mul3A_11] : memref<6400000xf32, #tpu.memory_space<hbm>> -> memref<6400xf32, #tpu.memory_space<hbm>>
    tpu.enqueue_dma source(%dma_start3A_17 : memref<6400xf32, #tpu.memory_space<hbm>>) target(%arg15 : memref<6400xf32, #tpu.memory_space<vmem>>) target_semaphore(%arg21 : memref<!tpu.dma_semaphore, #tpu.memory_space<semaphore_mem>>)
    tpu.wait_dma2 semaphore(%arg26 : memref<!tpu.dma_semaphore, #tpu.memory_space<semaphore_mem>>) src(%arg4 : memref<9040xf32, #tpu.memory_space<hbm>>) dst(%arg8 : memref<9040xf32, #tpu.memory_space<vmem>>)
    tpu.wait_dma2 semaphore(%arg26 : memref<!tpu.dma_semaphore, #tpu.memory_space<semaphore_mem>>) src(%arg5 : memref<16xf32, #tpu.memory_space<hbm>>) dst(%arg9 : memref<16xf32, #tpu.memory_space<vmem>>)
    tpu.wait_dma2 semaphore(%arg26 : memref<!tpu.dma_semaphore, #tpu.memory_space<semaphore_mem>>) src(%arg6 : memref<16xf32, #tpu.memory_space<hbm>>) dst(%arg10 : memref<16xf32, #tpu.memory_space<vmem>>)
    %get3A = arith.constant 0 : index
    %get3A_18 = tpu.vector_load %arg9[%get3A] {strides = array<i32>} : memref<16xf32, #tpu.memory_space<vmem>>, vector<16xf32>,
    %get3A_19 = arith.constant 0 : index
    %get3A_20 = tpu.vector_load %arg10[%get3A_19] {strides = array<i32>} : memref<16xf32, #tpu.memory_space<vmem>>, vector<16xf32>,
    %lt3A = arith.constant 5.000000e-01 : f32
    %lt3A_21 = vector.broadcast %lt3A : f32 to vector<16xf32>
    %lt3A_22 = arith.cmpf olt, %get3A_20, %lt3A_21 : vector<16xf32>
    %scan3A = arith.constant 0 : i32
    %scan3A_23 = arith.constant 0 : i32
    %scan3A_24 = arith.constant 11 : i32
    %scan3A_25 = arith.addi %scan3A_23, %scan3A_24 : i32
    %scan3A_26 = arith.constant 1 : i32
    scf.for %scan3A_39 = %scan3A_23 to %scan3A_25 step %scan3A_26  : i32 {
      %mul3A_40 = arith.constant 3 : i32
      %mul3A_41 = arith.muli %mul3A_40, %scan3A_39 : i32
      %add3A_42 = arith.constant 0 : i32
      %add3A_43 = arith.addi %mul3A_41, %add3A_42 : i32
      %mul3A_44 = arith.constant 32 : i32
      %mul3A_45 = arith.muli %add3A_43, %mul3A_44 : i32
      %add3A_46 = arith.addi %add3A, %mul3A_45 : i32
      %lt3A_47 = arith.constant 1000 : i32
      %lt3A_48 = arith.cmpi slt, %add3A_46, %lt3A_47 : i32
      %convert_element_type3A = arith.extui %lt3A_48 : i1 to i32
      %cond3A = arith.constant 0 : i32
      %cond3A_49 = arith.cmpi ne, %convert_element_type3A, %cond3A : i32
      scf.if %cond3A_49 {
        %add3A_74 = arith.constant 64 : i32
        %add3A_75 = arith.addi %add3A_46, %add3A_74 : i32
        %lt3A_76 = arith.constant 1000 : i32
        %lt3A_77 = arith.cmpi slt, %add3A_75, %lt3A_76 : i32
        %convert_element_type3A_78 = arith.extui %lt3A_77 : i1 to i32
        %cond3A_79 = arith.constant 0 : i32
        %cond3A_80 = arith.cmpi ne, %convert_element_type3A_78, %cond3A_79 : i32
        scf.if %cond3A_80 {
          %mul3A_99 = arith.constant 6400 : i32
          %mul3A_100 = arith.muli %add3A_75, %mul3A_99 : i32
          %dma_start3A_101 = arith.constant 0 : i32
          %dma_start3A_102 = tpu.memref_slice %arg2[%dma_start3A_101, %mul3A_100] : memref<2x6400000xi32, #tpu.memory_space<hbm>> -> memref<2x6400xi32, #tpu.memory_space<hbm>>
          %dma_start3A_103 = arith.constant 0 : i32
          %dma_start3A_104 = tpu.memref_slice %arg2[%dma_start3A_103, %mul3A_100] : memref<2x6400000xi32, #tpu.memory_space<hbm>> -> memref<2x6400xi32, #tpu.memory_space<hbm>>
          tpu.enqueue_dma source(%dma_start3A_104 : memref<2x6400xi32, #tpu.memory_space<hbm>>) target(%arg13 : memref<2x6400xi32, #tpu.memory_space<vmem>>) target_semaphore(%arg22 : memref<!tpu.dma_semaphore, #tpu.memory_space<semaphore_mem>>)
          %dma_start3A_105 = tpu.memref_slice %arg3[%mul3A_100] : memref<6400000xf32, #tpu.memory_space<hbm>> -> memref<6400xf32, #tpu.memory_space<hbm>>
          %dma_start3A_106 = tpu.memref_slice %arg3[%mul3A_100] : memref<6400000xf32, #tpu.memory_space<hbm>> -> memref<6400xf32, #tpu.memory_space<hbm>>
          tpu.enqueue_dma source(%dma_start3A_106 : memref<6400xf32, #tpu.memory_space<hbm>>) target(%arg16 : memref<6400xf32, #tpu.memory_space<vmem>>) target_semaphore(%arg22 : memref<!tpu.dma_semaphore, #tpu.memory_space<semaphore_mem>>)
        } else {
        }
        %mul3A_81 = arith.constant 6400 : i32
        %mul3A_82 = arith.muli %add3A_46, %mul3A_81 : i32
        %dma_wait3A_83 = arith.constant 0 : i32
        %dma_wait3A_84 = tpu.memref_slice %arg2[%dma_wait3A_83, %mul3A_82] : memref<2x6400000xi32, #tpu.memory_space<hbm>> -> memref<2x6400xi32, #tpu.memory_space<hbm>>
        %dma_wait3A_85 = arith.constant 0 : i32
        %dma_wait3A_86 = tpu.memref_slice %arg2[%dma_wait3A_85, %mul3A_82] : memref<2x6400000xi32, #tpu.memory_space<hbm>> -> memref<2x6400xi32, #tpu.memory_space<hbm>>
        tpu.wait_dma2 semaphore(%arg20 : memref<!tpu.dma_semaphore, #tpu.memory_space<semaphore_mem>>) src(%dma_wait3A_86 : memref<2x6400xi32, #tpu.memory_space<hbm>>) dst(%arg11 : memref<2x6400xi32, #tpu.memory_space<vmem>>)
        %dma_wait3A_87 = tpu.memref_slice %arg3[%mul3A_82] : memref<6400000xf32, #tpu.memory_space<hbm>> -> memref<6400xf32, #tpu.memory_space<hbm>>
        %dma_wait3A_88 = tpu.memref_slice %arg3[%mul3A_82] : memref<6400000xf32, #tpu.memory_space<hbm>> -> memref<6400xf32, #tpu.memory_space<hbm>>
        tpu.wait_dma2 semaphore(%arg20 : memref<!tpu.dma_semaphore, #tpu.memory_space<semaphore_mem>>) src(%dma_wait3A_88 : memref<6400xf32, #tpu.memory_space<hbm>>) dst(%arg14 : memref<6400xf32, #tpu.memory_space<vmem>>)
        %gt3A = arith.constant 0 : i32
        %gt3A_89 = arith.cmpi sgt, %scan3A_39, %gt3A : i32
        %convert_element_type3A_90 = arith.extui %gt3A_89 : i1 to i32
        %cond3A_91 = arith.constant 0 : i32
        %cond3A_92 = arith.cmpi ne, %convert_element_type3A_90, %cond3A_91 : i32
        scf.if %cond3A_92 {
          %sub3A = arith.constant 96 : i32
          %sub3A_99 = arith.subi %add3A_46, %sub3A : i32
          %mul3A_100 = arith.constant 6400 : i32
          %mul3A_101 = arith.muli %sub3A_99, %mul3A_100 : i32
          %dma_wait3A_102 = tpu.memref_slice %arg7[%mul3A_101] : memref<6400000xf32, #tpu.memory_space<hbm>> -> memref<6400xf32, #tpu.memory_space<hbm>>
          %dma_wait3A_103 = tpu.memref_slice %arg7[%mul3A_101] : memref<6400000xf32, #tpu.memory_space<hbm>> -> memref<6400xf32, #tpu.memory_space<hbm>>
          tpu.wait_dma2 semaphore(%arg23 : memref<!tpu.dma_semaphore, #tpu.memory_space<semaphore_mem>>) src(%arg17 : memref<6400xf32, #tpu.memory_space<vmem>>) dst(%dma_wait3A_103 : memref<6400xf32, #tpu.memory_space<hbm>>)
        } else {
        }
        %parallel_loop3A = arith.constant 0 : i32
        %parallel_loop3A_93 = arith.constant 6400 : i32
        %parallel_loop3A_94 = arith.constant 16 : i32
        scf.for %parallel_loop3A_99 = %parallel_loop3A to %parallel_loop3A_93 step %parallel_loop3A_94  : i32 {
          %parallel_loop3A_100 = arith.constant 0 : i32
          %parallel_loop3A_101 = arith.index_cast %parallel_loop3A_100 : i32 to index
          %parallel_loop3A_102 = arith.index_cast %parallel_loop3A_99 : i32 to index
          %parallel_loop3A_103 = tpu.vector_load %arg11[%parallel_loop3A_101, %parallel_loop3A_102] {strides = array<i32>} : memref<2x6400xi32, #tpu.memory_space<vmem>>, vector<16xi32>,
          %parallel_loop3A_104 = arith.constant 1 : i32
          %parallel_loop3A_105 = arith.index_cast %parallel_loop3A_104 : i32 to index
          %parallel_loop3A_106 = arith.index_cast %parallel_loop3A_99 : i32 to index
          %parallel_loop3A_107 = tpu.vector_load %arg11[%parallel_loop3A_105, %parallel_loop3A_106] {strides = array<i32>} : memref<2x6400xi32, #tpu.memory_space<vmem>>, vector<16xi32>,
          %parallel_loop3A_108 = arith.index_cast %parallel_loop3A_99 : i32 to index
          %parallel_loop3A_109 = tpu.vector_load %arg14[%parallel_loop3A_108] {strides = array<i32>} : memref<6400xf32, #tpu.memory_space<vmem>>, vector<16xf32>,
          %parallel_loop3A_110 = arith.constant 95 : i32
          %parallel_loop3A_111 = vector.broadcast %parallel_loop3A_110 : i32 to vector<16xi32>
          %parallel_loop3A_112 = arith.muli %parallel_loop3A_103, %parallel_loop3A_111 : vector<16xi32>
          %parallel_loop3A_113 = arith.addi %parallel_loop3A_112, %parallel_loop3A_107 : vector<16xi32>
          %parallel_loop3A_114 = tpu.vector_load_idx %arg8[%parallel_loop3A_113] : memref<9040xf32, #tpu.memory_space<vmem>>[vector<16xi32>], vector<16xf32>,
          %parallel_loop3A_115 = arith.mulf %get3A_18, %parallel_loop3A_109 : vector<16xf32>
          %parallel_loop3A_116 = arith.addf %parallel_loop3A_114, %parallel_loop3A_115 : vector<16xf32>
          %parallel_loop3A_117 = arith.divf %parallel_loop3A_114, %parallel_loop3A_116 : vector<16xf32>
          %parallel_loop3A_118 = arith.mulf %parallel_loop3A_109, %parallel_loop3A_117 : vector<16xf32>
          %parallel_loop3A_119 = arith.mulf %parallel_loop3A_118, %parallel_loop3A_118 : vector<16xf32>
          %parallel_loop3A_120 = arith.mulf %parallel_loop3A_117, %parallel_loop3A_117 : vector<16xf32>
          %parallel_loop3A_121 = arith.mulf %parallel_loop3A_120, %parallel_loop3A_120 : vector<16xf32>
          %parallel_loop3A_122 = arith.mulf %parallel_loop3A_119, %parallel_loop3A_119 : vector<16xf32>
          %parallel_loop3A_123 = arith.mulf %parallel_loop3A_122, %parallel_loop3A_119 : vector<16xf32>
          %parallel_loop3A_124 = arith.mulf %parallel_loop3A_121, %parallel_loop3A_121 : vector<16xf32>
          %parallel_loop3A_125 = arith.mulf %parallel_loop3A_123, %parallel_loop3A_124 : vector<16xf32>
          %parallel_loop3A_126 = arith.mulf %parallel_loop3A_125, %parallel_loop3A_119 : vector<16xf32>
          %parallel_loop3A_127 = arith.select %lt3A_22, %parallel_loop3A_126, %parallel_loop3A_125 : vector<16xi1>, vector<16xf32>
          %parallel_loop3A_128 = arith.index_cast %parallel_loop3A_99 : i32 to index
          %parallel_loop3A_129 = tpu.vector_load %arg17[%parallel_loop3A_128] {strides = array<i32>} : memref<6400xf32, #tpu.memory_space<vmem>>, vector<16xf32>,
          tpu.vector_store %arg17[%parallel_loop3A_128], %parallel_loop3A_127 {strides = array<i32>} : memref<6400xf32, #tpu.memory_space<vmem>>, vector<16xf32>,
        } {sc.loop_unroll_factor = 4 : i64, sc.parallel_access}
        %mul3A_95 = arith.constant 6400 : i32
        %mul3A_96 = arith.muli %add3A_46, %mul3A_95 : i32
        %dma_start3A_97 = tpu.memref_slice %arg7[%mul3A_96] : memref<6400000xf32, #tpu.memory_space<hbm>> -> memref<6400xf32, #tpu.memory_space<hbm>>
        %dma_start3A_98 = tpu.memref_slice %arg7[%mul3A_96] : memref<6400000xf32, #tpu.memory_space<hbm>> -> memref<6400xf32, #tpu.memory_space<hbm>>
        tpu.enqueue_dma source(%arg17 : memref<6400xf32, #tpu.memory_space<vmem>>) target(%dma_start3A_98 : memref<6400xf32, #tpu.memory_space<hbm>>) target_semaphore(%arg23 : memref<!tpu.dma_semaphore, #tpu.memory_space<semaphore_mem>>)
      } else {
      }
      %mul3A_50 = arith.constant 3 : i32
      %mul3A_51 = arith.muli %mul3A_50, %scan3A_39 : i32
      %add3A_52 = arith.constant 1 : i32
      %add3A_53 = arith.addi %mul3A_51, %add3A_52 : i32
      %mul3A_54 = arith.constant 32 : i32
      %mul3A_55 = arith.muli %add3A_53, %mul3A_54 : i32
      %add3A_56 = arith.addi %add3A, %mul3A_55 : i32
      %lt3A_57 = arith.constant 1000 : i32
      %lt3A_58 = arith.cmpi slt, %add3A_56, %lt3A_57 : i32
      %convert_element_type3A_59 = arith.extui %lt3A_58 : i1 to i32
      %cond3A_60 = arith.constant 0 : i32
      %cond3A_61 = arith.cmpi ne, %convert_element_type3A_59, %cond3A_60 : i32
      scf.if %cond3A_61 {
        %add3A_74 = arith.constant 64 : i32
        %add3A_75 = arith.addi %add3A_56, %add3A_74 : i32
        %lt3A_76 = arith.constant 1000 : i32
        %lt3A_77 = arith.cmpi slt, %add3A_75, %lt3A_76 : i32
        %convert_element_type3A_78 = arith.extui %lt3A_77 : i1 to i32
        %cond3A_79 = arith.constant 0 : i32
        %cond3A_80 = arith.cmpi ne, %convert_element_type3A_78, %cond3A_79 : i32
        scf.if %cond3A_80 {
          %mul3A_99 = arith.constant 6400 : i32
          %mul3A_100 = arith.muli %add3A_75, %mul3A_99 : i32
          %dma_start3A_101 = arith.constant 0 : i32
          %dma_start3A_102 = tpu.memref_slice %arg2[%dma_start3A_101, %mul3A_100] : memref<2x6400000xi32, #tpu.memory_space<hbm>> -> memref<2x6400xi32, #tpu.memory_space<hbm>>
          %dma_start3A_103 = arith.constant 0 : i32
          %dma_start3A_104 = tpu.memref_slice %arg2[%dma_start3A_103, %mul3A_100] : memref<2x6400000xi32, #tpu.memory_space<hbm>> -> memref<2x6400xi32, #tpu.memory_space<hbm>>
          tpu.enqueue_dma source(%dma_start3A_104 : memref<2x6400xi32, #tpu.memory_space<hbm>>) target(%arg11 : memref<2x6400xi32, #tpu.memory_space<vmem>>) target_semaphore(%arg20 : memref<!tpu.dma_semaphore, #tpu.memory_space<semaphore_mem>>)
          %dma_start3A_105 = tpu.memref_slice %arg3[%mul3A_100] : memref<6400000xf32, #tpu.memory_space<hbm>> -> memref<6400xf32, #tpu.memory_space<hbm>>
          %dma_start3A_106 = tpu.memref_slice %arg3[%mul3A_100] : memref<6400000xf32, #tpu.memory_space<hbm>> -> memref<6400xf32, #tpu.memory_space<hbm>>
          tpu.enqueue_dma source(%dma_start3A_106 : memref<6400xf32, #tpu.memory_space<hbm>>) target(%arg14 : memref<6400xf32, #tpu.memory_space<vmem>>) target_semaphore(%arg20 : memref<!tpu.dma_semaphore, #tpu.memory_space<semaphore_mem>>)
        } else {
        }
        %mul3A_81 = arith.constant 6400 : i32
        %mul3A_82 = arith.muli %add3A_56, %mul3A_81 : i32
        %dma_wait3A_83 = arith.constant 0 : i32
        %dma_wait3A_84 = tpu.memref_slice %arg2[%dma_wait3A_83, %mul3A_82] : memref<2x6400000xi32, #tpu.memory_space<hbm>> -> memref<2x6400xi32, #tpu.memory_space<hbm>>
        %dma_wait3A_85 = arith.constant 0 : i32
        %dma_wait3A_86 = tpu.memref_slice %arg2[%dma_wait3A_85, %mul3A_82] : memref<2x6400000xi32, #tpu.memory_space<hbm>> -> memref<2x6400xi32, #tpu.memory_space<hbm>>
        tpu.wait_dma2 semaphore(%arg21 : memref<!tpu.dma_semaphore, #tpu.memory_space<semaphore_mem>>) src(%dma_wait3A_86 : memref<2x6400xi32, #tpu.memory_space<hbm>>) dst(%arg12 : memref<2x6400xi32, #tpu.memory_space<vmem>>)
        %dma_wait3A_87 = tpu.memref_slice %arg3[%mul3A_82] : memref<6400000xf32, #tpu.memory_space<hbm>> -> memref<6400xf32, #tpu.memory_space<hbm>>
        %dma_wait3A_88 = tpu.memref_slice %arg3[%mul3A_82] : memref<6400000xf32, #tpu.memory_space<hbm>> -> memref<6400xf32, #tpu.memory_space<hbm>>
        tpu.wait_dma2 semaphore(%arg21 : memref<!tpu.dma_semaphore, #tpu.memory_space<semaphore_mem>>) src(%dma_wait3A_88 : memref<6400xf32, #tpu.memory_space<hbm>>) dst(%arg15 : memref<6400xf32, #tpu.memory_space<vmem>>)
        %gt3A = arith.constant 0 : i32
        %gt3A_89 = arith.cmpi sgt, %scan3A_39, %gt3A : i32
        %convert_element_type3A_90 = arith.extui %gt3A_89 : i1 to i32
        %cond3A_91 = arith.constant 0 : i32
        %cond3A_92 = arith.cmpi ne, %convert_element_type3A_90, %cond3A_91 : i32
        scf.if %cond3A_92 {
          %sub3A = arith.constant 96 : i32
          %sub3A_99 = arith.subi %add3A_56, %sub3A : i32
          %mul3A_100 = arith.constant 6400 : i32
          %mul3A_101 = arith.muli %sub3A_99, %mul3A_100 : i32
          %dma_wait3A_102 = tpu.memref_slice %arg7[%mul3A_101] : memref<6400000xf32, #tpu.memory_space<hbm>> -> memref<6400xf32, #tpu.memory_space<hbm>>
          %dma_wait3A_103 = tpu.memref_slice %arg7[%mul3A_101] : memref<6400000xf32, #tpu.memory_space<hbm>> -> memref<6400xf32, #tpu.memory_space<hbm>>
          tpu.wait_dma2 semaphore(%arg24 : memref<!tpu.dma_semaphore, #tpu.memory_space<semaphore_mem>>) src(%arg18 : memref<6400xf32, #tpu.memory_space<vmem>>) dst(%dma_wait3A_103 : memref<6400xf32, #tpu.memory_space<hbm>>)
        } else {
        }
        %parallel_loop3A = arith.constant 0 : i32
        %parallel_loop3A_93 = arith.constant 6400 : i32
        %parallel_loop3A_94 = arith.constant 16 : i32
        scf.for %parallel_loop3A_99 = %parallel_loop3A to %parallel_loop3A_93 step %parallel_loop3A_94  : i32 {
          %parallel_loop3A_100 = arith.constant 0 : i32
          %parallel_loop3A_101 = arith.index_cast %parallel_loop3A_100 : i32 to index
          %parallel_loop3A_102 = arith.index_cast %parallel_loop3A_99 : i32 to index
          %parallel_loop3A_103 = tpu.vector_load %arg12[%parallel_loop3A_101, %parallel_loop3A_102] {strides = array<i32>} : memref<2x6400xi32, #tpu.memory_space<vmem>>, vector<16xi32>,
          %parallel_loop3A_104 = arith.constant 1 : i32
          %parallel_loop3A_105 = arith.index_cast %parallel_loop3A_104 : i32 to index
          %parallel_loop3A_106 = arith.index_cast %parallel_loop3A_99 : i32 to index
          %parallel_loop3A_107 = tpu.vector_load %arg12[%parallel_loop3A_105, %parallel_loop3A_106] {strides = array<i32>} : memref<2x6400xi32, #tpu.memory_space<vmem>>, vector<16xi32>,
          %parallel_loop3A_108 = arith.index_cast %parallel_loop3A_99 : i32 to index
          %parallel_loop3A_109 = tpu.vector_load %arg15[%parallel_loop3A_108] {strides = array<i32>} : memref<6400xf32, #tpu.memory_space<vmem>>, vector<16xf32>,
          %parallel_loop3A_110 = arith.constant 95 : i32
          %parallel_loop3A_111 = vector.broadcast %parallel_loop3A_110 : i32 to vector<16xi32>
          %parallel_loop3A_112 = arith.muli %parallel_loop3A_103, %parallel_loop3A_111 : vector<16xi32>
          %parallel_loop3A_113 = arith.addi %parallel_loop3A_112, %parallel_loop3A_107 : vector<16xi32>
          %parallel_loop3A_114 = tpu.vector_load_idx %arg8[%parallel_loop3A_113] : memref<9040xf32, #tpu.memory_space<vmem>>[vector<16xi32>], vector<16xf32>,
          %parallel_loop3A_115 = arith.mulf %get3A_18, %parallel_loop3A_109 : vector<16xf32>
          %parallel_loop3A_116 = arith.addf %parallel_loop3A_114, %parallel_loop3A_115 : vector<16xf32>
          %parallel_loop3A_117 = arith.divf %parallel_loop3A_114, %parallel_loop3A_116 : vector<16xf32>
          %parallel_loop3A_118 = arith.mulf %parallel_loop3A_109, %parallel_loop3A_117 : vector<16xf32>
          %parallel_loop3A_119 = arith.mulf %parallel_loop3A_118, %parallel_loop3A_118 : vector<16xf32>
          %parallel_loop3A_120 = arith.mulf %parallel_loop3A_117, %parallel_loop3A_117 : vector<16xf32>
          %parallel_loop3A_121 = arith.mulf %parallel_loop3A_120, %parallel_loop3A_120 : vector<16xf32>
          %parallel_loop3A_122 = arith.mulf %parallel_loop3A_119, %parallel_loop3A_119 : vector<16xf32>
          %parallel_loop3A_123 = arith.mulf %parallel_loop3A_122, %parallel_loop3A_119 : vector<16xf32>
          %parallel_loop3A_124 = arith.mulf %parallel_loop3A_121, %parallel_loop3A_121 : vector<16xf32>
          %parallel_loop3A_125 = arith.mulf %parallel_loop3A_123, %parallel_loop3A_124 : vector<16xf32>
          %parallel_loop3A_126 = arith.mulf %parallel_loop3A_125, %parallel_loop3A_119 : vector<16xf32>
          %parallel_loop3A_127 = arith.select %lt3A_22, %parallel_loop3A_126, %parallel_loop3A_125 : vector<16xi1>, vector<16xf32>
          %parallel_loop3A_128 = arith.index_cast %parallel_loop3A_99 : i32 to index
          %parallel_loop3A_129 = tpu.vector_load %arg18[%parallel_loop3A_128] {strides = array<i32>} : memref<6400xf32, #tpu.memory_space<vmem>>, vector<16xf32>,
          tpu.vector_store %arg18[%parallel_loop3A_128], %parallel_loop3A_127 {strides = array<i32>} : memref<6400xf32, #tpu.memory_space<vmem>>, vector<16xf32>,
        } {sc.loop_unroll_factor = 4 : i64, sc.parallel_access}
        %mul3A_95 = arith.constant 6400 : i32
        %mul3A_96 = arith.muli %add3A_56, %mul3A_95 : i32
        %dma_start3A_97 = tpu.memref_slice %arg7[%mul3A_96] : memref<6400000xf32, #tpu.memory_space<hbm>> -> memref<6400xf32, #tpu.memory_space<hbm>>
        %dma_start3A_98 = tpu.memref_slice %arg7[%mul3A_96] : memref<6400000xf32, #tpu.memory_space<hbm>> -> memref<6400xf32, #tpu.memory_space<hbm>>
        tpu.enqueue_dma source(%arg18 : memref<6400xf32, #tpu.memory_space<vmem>>) target(%dma_start3A_98 : memref<6400xf32, #tpu.memory_space<hbm>>) target_semaphore(%arg24 : memref<!tpu.dma_semaphore, #tpu.memory_space<semaphore_mem>>)
      } else {
      }
      %mul3A_62 = arith.constant 3 : i32
      %mul3A_63 = arith.muli %mul3A_62, %scan3A_39 : i32
      %add3A_64 = arith.constant 2 : i32
      %add3A_65 = arith.addi %mul3A_63, %add3A_64 : i32
      %mul3A_66 = arith.constant 32 : i32
      %mul3A_67 = arith.muli %add3A_65, %mul3A_66 : i32
      %add3A_68 = arith.addi %add3A, %mul3A_67 : i32
      %lt3A_69 = arith.constant 1000 : i32
      %lt3A_70 = arith.cmpi slt, %add3A_68, %lt3A_69 : i32
      %convert_element_type3A_71 = arith.extui %lt3A_70 : i1 to i32
      %cond3A_72 = arith.constant 0 : i32
      %cond3A_73 = arith.cmpi ne, %convert_element_type3A_71, %cond3A_72 : i32
      scf.if %cond3A_73 {
        %add3A_74 = arith.constant 64 : i32
        %add3A_75 = arith.addi %add3A_68, %add3A_74 : i32
        %lt3A_76 = arith.constant 1000 : i32
        %lt3A_77 = arith.cmpi slt, %add3A_75, %lt3A_76 : i32
        %convert_element_type3A_78 = arith.extui %lt3A_77 : i1 to i32
        %cond3A_79 = arith.constant 0 : i32
        %cond3A_80 = arith.cmpi ne, %convert_element_type3A_78, %cond3A_79 : i32
        scf.if %cond3A_80 {
          %mul3A_99 = arith.constant 6400 : i32
          %mul3A_100 = arith.muli %add3A_75, %mul3A_99 : i32
          %dma_start3A_101 = arith.constant 0 : i32
          %dma_start3A_102 = tpu.memref_slice %arg2[%dma_start3A_101, %mul3A_100] : memref<2x6400000xi32, #tpu.memory_space<hbm>> -> memref<2x6400xi32, #tpu.memory_space<hbm>>
          %dma_start3A_103 = arith.constant 0 : i32
          %dma_start3A_104 = tpu.memref_slice %arg2[%dma_start3A_103, %mul3A_100] : memref<2x6400000xi32, #tpu.memory_space<hbm>> -> memref<2x6400xi32, #tpu.memory_space<hbm>>
          tpu.enqueue_dma source(%dma_start3A_104 : memref<2x6400xi32, #tpu.memory_space<hbm>>) target(%arg12 : memref<2x6400xi32, #tpu.memory_space<vmem>>) target_semaphore(%arg21 : memref<!tpu.dma_semaphore, #tpu.memory_space<semaphore_mem>>)
          %dma_start3A_105 = tpu.memref_slice %arg3[%mul3A_100] : memref<6400000xf32, #tpu.memory_space<hbm>> -> memref<6400xf32, #tpu.memory_space<hbm>>
          %dma_start3A_106 = tpu.memref_slice %arg3[%mul3A_100] : memref<6400000xf32, #tpu.memory_space<hbm>> -> memref<6400xf32, #tpu.memory_space<hbm>>
          tpu.enqueue_dma source(%dma_start3A_106 : memref<6400xf32, #tpu.memory_space<hbm>>) target(%arg15 : memref<6400xf32, #tpu.memory_space<vmem>>) target_semaphore(%arg21 : memref<!tpu.dma_semaphore, #tpu.memory_space<semaphore_mem>>)
        } else {
        }
        %mul3A_81 = arith.constant 6400 : i32
        %mul3A_82 = arith.muli %add3A_68, %mul3A_81 : i32
        %dma_wait3A_83 = arith.constant 0 : i32
        %dma_wait3A_84 = tpu.memref_slice %arg2[%dma_wait3A_83, %mul3A_82] : memref<2x6400000xi32, #tpu.memory_space<hbm>> -> memref<2x6400xi32, #tpu.memory_space<hbm>>
        %dma_wait3A_85 = arith.constant 0 : i32
        %dma_wait3A_86 = tpu.memref_slice %arg2[%dma_wait3A_85, %mul3A_82] : memref<2x6400000xi32, #tpu.memory_space<hbm>> -> memref<2x6400xi32, #tpu.memory_space<hbm>>
        tpu.wait_dma2 semaphore(%arg22 : memref<!tpu.dma_semaphore, #tpu.memory_space<semaphore_mem>>) src(%dma_wait3A_86 : memref<2x6400xi32, #tpu.memory_space<hbm>>) dst(%arg13 : memref<2x6400xi32, #tpu.memory_space<vmem>>)
        %dma_wait3A_87 = tpu.memref_slice %arg3[%mul3A_82] : memref<6400000xf32, #tpu.memory_space<hbm>> -> memref<6400xf32, #tpu.memory_space<hbm>>
        %dma_wait3A_88 = tpu.memref_slice %arg3[%mul3A_82] : memref<6400000xf32, #tpu.memory_space<hbm>> -> memref<6400xf32, #tpu.memory_space<hbm>>
        tpu.wait_dma2 semaphore(%arg22 : memref<!tpu.dma_semaphore, #tpu.memory_space<semaphore_mem>>) src(%dma_wait3A_88 : memref<6400xf32, #tpu.memory_space<hbm>>) dst(%arg16 : memref<6400xf32, #tpu.memory_space<vmem>>)
        %gt3A = arith.constant 0 : i32
        %gt3A_89 = arith.cmpi sgt, %scan3A_39, %gt3A : i32
        %convert_element_type3A_90 = arith.extui %gt3A_89 : i1 to i32
        %cond3A_91 = arith.constant 0 : i32
        %cond3A_92 = arith.cmpi ne, %convert_element_type3A_90, %cond3A_91 : i32
        scf.if %cond3A_92 {
          %sub3A = arith.constant 96 : i32
          %sub3A_99 = arith.subi %add3A_68, %sub3A : i32
          %mul3A_100 = arith.constant 6400 : i32
          %mul3A_101 = arith.muli %sub3A_99, %mul3A_100 : i32
          %dma_wait3A_102 = tpu.memref_slice %arg7[%mul3A_101] : memref<6400000xf32, #tpu.memory_space<hbm>> -> memref<6400xf32, #tpu.memory_space<hbm>>
          %dma_wait3A_103 = tpu.memref_slice %arg7[%mul3A_101] : memref<6400000xf32, #tpu.memory_space<hbm>> -> memref<6400xf32, #tpu.memory_space<hbm>>
          tpu.wait_dma2 semaphore(%arg25 : memref<!tpu.dma_semaphore, #tpu.memory_space<semaphore_mem>>) src(%arg19 : memref<6400xf32, #tpu.memory_space<vmem>>) dst(%dma_wait3A_103 : memref<6400xf32, #tpu.memory_space<hbm>>)
        } else {
        }
        %parallel_loop3A = arith.constant 0 : i32
        %parallel_loop3A_93 = arith.constant 6400 : i32
        %parallel_loop3A_94 = arith.constant 16 : i32
        scf.for %parallel_loop3A_99 = %parallel_loop3A to %parallel_loop3A_93 step %parallel_loop3A_94  : i32 {
          %parallel_loop3A_100 = arith.constant 0 : i32
          %parallel_loop3A_101 = arith.index_cast %parallel_loop3A_100 : i32 to index
          %parallel_loop3A_102 = arith.index_cast %parallel_loop3A_99 : i32 to index
          %parallel_loop3A_103 = tpu.vector_load %arg13[%parallel_loop3A_101, %parallel_loop3A_102] {strides = array<i32>} : memref<2x6400xi32, #tpu.memory_space<vmem>>, vector<16xi32>,
          %parallel_loop3A_104 = arith.constant 1 : i32
          %parallel_loop3A_105 = arith.index_cast %parallel_loop3A_104 : i32 to index
          %parallel_loop3A_106 = arith.index_cast %parallel_loop3A_99 : i32 to index
          %parallel_loop3A_107 = tpu.vector_load %arg13[%parallel_loop3A_105, %parallel_loop3A_106] {strides = array<i32>} : memref<2x6400xi32, #tpu.memory_space<vmem>>, vector<16xi32>,
          %parallel_loop3A_108 = arith.index_cast %parallel_loop3A_99 : i32 to index
          %parallel_loop3A_109 = tpu.vector_load %arg16[%parallel_loop3A_108] {strides = array<i32>} : memref<6400xf32, #tpu.memory_space<vmem>>, vector<16xf32>,
          %parallel_loop3A_110 = arith.constant 95 : i32
          %parallel_loop3A_111 = vector.broadcast %parallel_loop3A_110 : i32 to vector<16xi32>
          %parallel_loop3A_112 = arith.muli %parallel_loop3A_103, %parallel_loop3A_111 : vector<16xi32>
          %parallel_loop3A_113 = arith.addi %parallel_loop3A_112, %parallel_loop3A_107 : vector<16xi32>
          %parallel_loop3A_114 = tpu.vector_load_idx %arg8[%parallel_loop3A_113] : memref<9040xf32, #tpu.memory_space<vmem>>[vector<16xi32>], vector<16xf32>,
          %parallel_loop3A_115 = arith.mulf %get3A_18, %parallel_loop3A_109 : vector<16xf32>
          %parallel_loop3A_116 = arith.addf %parallel_loop3A_114, %parallel_loop3A_115 : vector<16xf32>
          %parallel_loop3A_117 = arith.divf %parallel_loop3A_114, %parallel_loop3A_116 : vector<16xf32>
          %parallel_loop3A_118 = arith.mulf %parallel_loop3A_109, %parallel_loop3A_117 : vector<16xf32>
          %parallel_loop3A_119 = arith.mulf %parallel_loop3A_118, %parallel_loop3A_118 : vector<16xf32>
          %parallel_loop3A_120 = arith.mulf %parallel_loop3A_117, %parallel_loop3A_117 : vector<16xf32>
          %parallel_loop3A_121 = arith.mulf %parallel_loop3A_120, %parallel_loop3A_120 : vector<16xf32>
          %parallel_loop3A_122 = arith.mulf %parallel_loop3A_119, %parallel_loop3A_119 : vector<16xf32>
          %parallel_loop3A_123 = arith.mulf %parallel_loop3A_122, %parallel_loop3A_119 : vector<16xf32>
          %parallel_loop3A_124 = arith.mulf %parallel_loop3A_121, %parallel_loop3A_121 : vector<16xf32>
          %parallel_loop3A_125 = arith.mulf %parallel_loop3A_123, %parallel_loop3A_124 : vector<16xf32>
          %parallel_loop3A_126 = arith.mulf %parallel_loop3A_125, %parallel_loop3A_119 : vector<16xf32>
          %parallel_loop3A_127 = arith.select %lt3A_22, %parallel_loop3A_126, %parallel_loop3A_125 : vector<16xi1>, vector<16xf32>
          %parallel_loop3A_128 = arith.index_cast %parallel_loop3A_99 : i32 to index
          %parallel_loop3A_129 = tpu.vector_load %arg19[%parallel_loop3A_128] {strides = array<i32>} : memref<6400xf32, #tpu.memory_space<vmem>>, vector<16xf32>,
          tpu.vector_store %arg19[%parallel_loop3A_128], %parallel_loop3A_127 {strides = array<i32>} : memref<6400xf32, #tpu.memory_space<vmem>>, vector<16xf32>,
        } {sc.loop_unroll_factor = 4 : i64, sc.parallel_access}
        %mul3A_95 = arith.constant 6400 : i32
        %mul3A_96 = arith.muli %add3A_68, %mul3A_95 : i32
        %dma_start3A_97 = tpu.memref_slice %arg7[%mul3A_96] : memref<6400000xf32, #tpu.memory_space<hbm>> -> memref<6400xf32, #tpu.memory_space<hbm>>
        %dma_start3A_98 = tpu.memref_slice %arg7[%mul3A_96] : memref<6400000xf32, #tpu.memory_space<hbm>> -> memref<6400xf32, #tpu.memory_space<hbm>>
        tpu.enqueue_dma source(%arg19 : memref<6400xf32, #tpu.memory_space<vmem>>) target(%dma_start3A_98 : memref<6400xf32, #tpu.memory_space<hbm>>) target_semaphore(%arg25 : memref<!tpu.dma_semaphore, #tpu.memory_space<semaphore_mem>>)
      } else {
      }
    }
    %scan3A_27 = arith.constant 11 : i32
    %dma_wait3A = arith.constant 0 : i32
    %dma_wait3A_28 = tpu.memref_slice %arg7[%dma_wait3A] : memref<6400000xf32, #tpu.memory_space<hbm>> -> memref<6400xf32, #tpu.memory_space<hbm>>
    %dma_wait3A_29 = arith.constant 0 : i32
    %dma_wait3A_30 = tpu.memref_slice %arg7[%dma_wait3A_29] : memref<6400000xf32, #tpu.memory_space<hbm>> -> memref<6400xf32, #tpu.memory_space<hbm>>
    tpu.wait_dma2 semaphore(%arg23 : memref<!tpu.dma_semaphore, #tpu.memory_space<semaphore_mem>>) src(%arg17 : memref<6400xf32, #tpu.memory_space<vmem>>) dst(%dma_wait3A_30 : memref<6400xf32, #tpu.memory_space<hbm>>)
    %dma_wait3A_31 = arith.constant 0 : i32
    %dma_wait3A_32 = tpu.memref_slice %arg7[%dma_wait3A_31] : memref<6400000xf32, #tpu.memory_space<hbm>> -> memref<6400xf32, #tpu.memory_space<hbm>>
    %dma_wait3A_33 = arith.constant 0 : i32
    %dma_wait3A_34 = tpu.memref_slice %arg7[%dma_wait3A_33] : memref<6400000xf32, #tpu.memory_space<hbm>> -> memref<6400xf32, #tpu.memory_space<hbm>>
    tpu.wait_dma2 semaphore(%arg24 : memref<!tpu.dma_semaphore, #tpu.memory_space<semaphore_mem>>) src(%arg18 : memref<6400xf32, #tpu.memory_space<vmem>>) dst(%dma_wait3A_34 : memref<6400xf32, #tpu.memory_space<hbm>>)
    %dma_wait3A_35 = arith.constant 0 : i32
    %dma_wait3A_36 = tpu.memref_slice %arg7[%dma_wait3A_35] : memref<6400000xf32, #tpu.memory_space<hbm>> -> memref<6400xf32, #tpu.memory_space<hbm>>
    %dma_wait3A_37 = arith.constant 0 : i32
    %dma_wait3A_38 = tpu.memref_slice %arg7[%dma_wait3A_37] : memref<6400000xf32, #tpu.memory_space<hbm>> -> memref<6400xf32, #tpu.memory_space<hbm>>
    tpu.wait_dma2 semaphore(%arg25 : memref<!tpu.dma_semaphore, #tpu.memory_space<semaphore_mem>>) src(%arg19 : memref<6400xf32, #tpu.memory_space<vmem>>) dst(%dma_wait3A_38 : memref<6400xf32, #tpu.memory_space<hbm>>)
    return
  }
}

</mosaic_0001>

<sc_bundles>
// kernel: kernel.3.cloned.1.call-start
scs
__scs_entry_jumppad:
0x0: {  	(pc) =	sbr.rel $0x88, $3  }
0x1: {  	(tag) =	ssettag $0x0;
	lr =	simm.s32 $0x1  }
0x2: {  	[smem:$0x3F9D] =	sst lr;
	_ =	strace $0xD0000000  }
0x3: {  	_ = 	snop  }
0x4: {  	_ = 	snop  }
0x5: {  	_ = 	snop  }
0x6: {  	_ = 	snop  }
0x7: {  	_ = 	snop  }
__scs_overlays_trampoline_lowered:
0x8: {  	[smem:$0x3FAC] =	sst s0  }
0x9: {  	[smem:$0x3FAD] =	sst s1  }
0xa: {  	[smem:$0x3FAE] =	sst s2  }
0xb: {  	[smem:$0x3FAF] =	sst s3  }
0xc: {  	[smem:$0x3FB0] =	sst s4  }
0xd: {  	[smem:$0x3FB1] =	sst s5  }
0xe: {  	[smem:$0x3FB2] =	sst s6  }
0xf: {  	[smem:$0x3FB3] =	sst s7  }
0x10: {  	[smem:$0x3FB4] =	sst s8  }
0x11: {  	[smem:$0x3FB5] =	sst s9;
	s0 =	simm.s32 @!p0 $0x0  }
0x12: {  	s1 =	sld [smem:$0x3F9B];
	s0 =	simm.s32 @p0 $0x1  }
0x13: {  	[smem:$0x3FB6] =	sst s0;
	s0 =	simm.s32 @!p1 $0x0  }
0x14: {  	s2 =	sld [smem:$0x3F9A];
	s0 =	simm.s32 @p1 $0x1  }
0x15: {  	[smem:$0x3FB7] =	sst s0;
	s0 =	simm.s32 @!p2 $0x0  }
0x16: {  	s3 =	sld [smem:$0x3FDB];
	s0 =	simm.s32 @p2 $0x1  }
0x17: {  	s4 =	simm.s32 $0x1BF5;
	[smem:$0x3FB9] =	sst s0  }
0x18: {  	s0 =	sld [smem:$0x3F9C];
	_ =	swait.ge [sflag:s4], $0x0  }
0x19: {  	s7 =	sld [smem:$0x3F9D]  }
0x1a: {  	s8 =	sadd.s32 $0xFFFFE003, lr  }
0x1b: {  	s9 =	sadd.s32 $0xFFFFFEF7, lr;
	s5 =	simm.s32 $0xFFFFFFFF;
	p2 =	slt.u32 s8, $0xFFFFF086  }
0x1c: {  	p1 =	slt.u32 s9, $0xF7A;
	s5 =	simm.s32 @!p2 $0x0  }
0x1d: {  	s5 =	simm.s32 @p1 $0x1;
	p0 =	seq.s32 s7, s2  }
0x1e: {  	s7 =	smul.u32 @!p0 $0xF7A, s2;
	p2 =	seq.s32 @!p0 s5, $0x0  }
0x1f: {  	s9 =	smul.u32 $0xF7A, s1;
	s8 =	simm.s32 @!p0 $0x1BF5;
	p2 =	por !p2, p0  }
0x20: {  	[sflag:s8] =	ssyncset.s32 @!p0 $0xFFFFF086;
	s6 =	sadd.s32 @!p0 s3, s7;
	s7 =	simm.s32 @!p0 $0x108  }
0x21: {  	s3 =	sadd.s32 s3, s9;
	s6 =	sadd.s32 @!p0 $0x88, s6;
	s7 =	simm.s32 @p2 $0x1082  }
0x22: {  	[simem:s7], [sflag:s8] =	dma.local @!p0 [hbm:s6], $0xF7A  }
0x23: {  	s9 =	sor.u32 $0xD0000000, s2;
	s6 =	simm.s32 $0x108;
	_ =	swait.ge @!p0 [sflag:s8], $0x0  }
0x24: {  	s3 =	sadd.s32 $0x88, s3;
	s6 =	simm.s32 @!p1 $0x1082;
	[sflag:s4] =	ssyncset.s32 $0xFFFFF086  }
0x25: {  	[simem:s6], [sflag:s4] =	dma.local [hbm:s3], $0xF7A  }
0x26: {  	[smem:$0x3F9D] =	sst s1;
	(tag) =	ssettag s2;
	_ =	strace s9  }
0x27: {  	s1 =	sld [smem:$0x3FAD]  }
0x28: {  	s2 =	sld [smem:$0x3FAE]  }
0x29: {  	s4 =	sld [smem:$0x3FB0]  }
0x2a: {  	p0 =	seq.s32 s5, $0x0;
	s5 =	sld [smem:$0x3FB1]  }
0x2b: {  	s6 =	sld [smem:$0x3FB2]  }
0x2c: {  	s7 =	sld [smem:$0x3FB3]  }
0x2d: {  	s3 =	simm.s32 $0x108;
	s8 =	sld [smem:$0x3FB4]  }
0x2e: {  	s3 =	simm.s32 @!p0 $0x1082;
	s9 =	sld [smem:$0x3FB5]  }
0x2f: {  	lr =	sadd.s32 s0, s3;
	s0 =	sld [smem:$0x3FAC]  }
0x30: {  	s3 =	sld [smem:$0x3FAF]  }
0x31: {  	[smem:$0x3FB8] =	sst s10  }
0x32: {  	s10 =	sld [smem:$0x3FB6];
	_ =	sdelay $0x3  }
0x33: {  	p0 =	seq.s32 s10, $0x1;
	s10 =	sld [smem:$0x3FB8];
	_ =	sdelay $0x3  }
0x34: {  	[smem:$0x3FB8] =	sst s10  }
0x35: {  	s10 =	sld [smem:$0x3FB7];
	_ =	sdelay $0x3  }
0x36: {  	p1 =	seq.s32 s10, $0x1;
	s10 =	sld [smem:$0x3FB8];
	_ =	sdelay $0x3  }
0x37: {  	[smem:$0x3FB8] =	sst s10  }
0x38: {  	s10 =	sld [smem:$0x3FB9]  }
0x39: {  	_ = 	snop;
	(pc) =	sbr.ind lr, $3  }
0x3a: {  	_ = 	snop  }
0x3b: {  	_ = 	snop  }
0x3c: {  	p2 =	seq.s32 s10, $0x1;
	s10 =	sld [smem:$0x3FB8]  }
0x3d: {  	_ =	shalt  }
0x3e: {  	_ =	shalt  }
0x3f: {  	_ =	shalt  }
0x40: {  	_ =	shalt  }
0x41: {  	_ =	shalt  }
0x42: {  	_ =	shalt  }
0x43: {  	_ =	shalt  }
0x44: {  	_ =	shalt  }
0x45: {  	_ =	shalt  }
0x46: {  	_ =	shalt  }
0x47: {  	_ =	shalt  }
0x48: {  	_ =	shalt  }
0x49: {  	_ =	shalt  }
0x4a: {  	_ =	shalt  }
0x4b: {  	_ =	shalt  }
0x4c: {  	_ =	shalt  }
0x4d: {  	_ =	shalt  }
0x4e: {  	_ =	shalt  }
0x4f: {  	_ =	shalt  }
0x50: {  	_ =	shalt  }
0x51: {  	_ =	shalt  }
0x52: {  	_ =	shalt  }
0x53: {  	_ =	shalt  }
0x54: {  	_ =	shalt  }
0x55: {  	_ =	shalt  }
0x56: {  	_ =	shalt  }
0x57: {  	_ =	shalt  }
0x58: {  	_ =	shalt  }
0x59: {  	_ =	shalt  }
0x5a: {  	_ =	shalt  }
0x5b: {  	_ =	shalt  }
0x5c: {  	_ =	shalt  }
0x5d: {  	_ =	shalt  }
0x5e: {  	_ =	shalt  }
0x5f: {  	_ =	shalt  }
0x60: {  	_ =	shalt  }
0x61: {  	_ =	shalt  }
0x62: {  	_ =	shalt  }
0x63: {  	_ =	shalt  }
0x64: {  	_ =	shalt  }
0x65: {  	_ =	shalt  }
0x66: {  	_ =	shalt  }
0x67: {  	_ =	shalt  }
0x68: {  	_ =	shalt  }
0x69: {  	_ =	shalt  }
0x6a: {  	_ =	shalt  }
0x6b: {  	_ =	shalt  }
0x6c: {  	_ =	shalt  }
0x6d: {  	_ =	shalt  }
0x6e: {  	_ =	shalt  }
0x6f: {  	_ =	shalt  }
0x70: {  	_ =	shalt  }
0x71: {  	_ =	shalt  }
0x72: {  	_ =	shalt  }
0x73: {  	_ =	shalt  }
0x74: {  	_ =	shalt  }
0x75: {  	_ =	shalt  }
0x76: {  	_ =	shalt  }
0x77: {  	_ =	shalt  }
0x78: {  	_ =	shalt  }
0x79: {  	_ =	shalt  }
0x7a: {  	_ =	shalt  }
0x7b: {  	_ =	shalt  }
0x7c: {  	_ =	shalt  }
0x7d: {  	_ =	shalt  }
0x7e: {  	_ =	shalt  }
0x7f: {  	_ =	shalt  }
0x80: {  	_ =	shalt  }
0x81: {  	_ =	shalt  }
0x82: {  	_ =	shalt  }
0x83: {  	_ =	shalt  }
0x84: {  	_ =	shalt  }
0x85: {  	_ =	shalt  }
0x86: {  	_ =	shalt  }
0x87: {  	_ =	shalt  }
.Lfunc_end0:
.L_simem_size_0:
called_computation_lowered:
.L_overlay_start_0:
0x88: {  	s2 =	sld [smem:$0x3FD9]  }
0x89: {  	s3 =	sld [smem:$0x3FFE];
	_ =	sdelay $0x1  }
0x8a: {  	s1 =	srdreg.scid  }
0x8b: {  	s0 =	sand.u32 $0x1, s1  }
0x8c: {  	s17 =	sshll.u32 s0, $0xA;
	s2 =	sadd.s32 s3, s2  }
0x8d: {  	s2 =	sadd.s32 s2, s17  }
0x8e: {  	[smem:$0x3FC4] =	sst s2  }
0x8f: {  	_ = 	snop  }
0x90: {  	s2 =	sld [smem:$0x3FC9]  }
0x91: {  	s18 =	sld [smem:$0x3FC8]  }
0x92: {  	s4 =	sld [smem:$0x3FD0];
	(tm) =	ssettm $0x1  }
0x93: {  	s5 =	sld [smem:$0x3FFB];
	_ =	sdelay $0x3  }
0x94: {  	_ =	strace s5  }
0x95: {  	s5 =	sld [smem:$0x3FFC];
	_ =	sdelay $0x3  }
0x96: {  	_ =	strace s5  }
0x97: {  	s5 =	sld [smem:$0x3FFD];
	_ =	sdelay $0x3  }
0x98: {  	_ =	strace s5  }
0x99: {  	_ =	strace $0x8FFFFFFF  }
0x9a: {  	s19 =	sld [smem:$0x3FDB];
	_ =	sdelay $0x1  }
0x9b: {  	s6 =	simm.s32 $_scs_section_size  }
0x9c: {  	s7 =	simm.s32 $_size__tile_overlayer_lowered;
	s8 =	simm.s32 $_tile_overlayer_lowered  }
0x9d: {  	s22 =	simm.s32 $0x1BFF;
	s21 =	sshll.u32 s8, $0x1;
	s5 =	sadd.s32 s6, s19  }
0x9e: {  	s9 =	simm.s32 $0x0;
	s20 =	sshll.u32 s7, $0x1;
	s7 =	sadd.s32 s21, s5  }
0x9f: {  	[timem:s9], [sflag:s22] =	dma.local [hbm:s7], s20  }
0xa0: {  	_ =	swait.ge [sflag:s22], s20  }
0xa1: {  	s6 =	ssub.s32 $0x0, s20;
	[sflag:s22] =	ssyncset.done $0x0  }
0xa2: {  	[sflag:s22] =	ssyncadd.s32 s6;
	_ =	sdelay $0x1  }
0xa3: {  	s23 =	simm.s32 $0x1B8B  }
0xa4: {  	_ =	swait.ge [sflag:s23], $0x1  }
0xa5: {  	[sflag:s23] =	ssyncset.done $0x0  }
0xa6: {  	s25 =	simm.s32 $0x1B8E;
	s24 =	sld [smem:$0x3FFE];
	[sflag:s23] =	ssyncadd.s32 $0xFFFFFFFF  }
0xa7: {  	s26 =	simm.s32 $execute0_lowered;
	[smem:$0x3FD2] =	sst s25  }
0xa8: {  	s7 =	sshll.u32 s26, $0x1;
	_ =	strace $0x80000046;
	[dreg:$0x1] =	wrdreg $0xFFFFFFFF  }
0xa9: {  	s28 =	simm.s32 $_size_execute0_lowered;
	s5 =	sadd.s32 s5, s7;
	[dreg:$0x0] =	wrdreg $0x0  }
0xaa: {  	s7 =	sshll.u32 s28, $0x1;
	[dreg:$0x2] =	wrdreg s5  }
0xab: {  	[dreg:$0x3] =	wrdreg s7  }
0xac: {  	[dreg:$0x4] =	wrdreg $0xC0  }
0xad: {  	_ =	task [dreg:s9], $0x5FFFF  }
0xae: {  	[dreg:$0x1] =	wrdreg $0xFFFFFFFF  }
0xaf: {  	[dreg:$0x0] =	wrdreg $0x60  }
0xb0: {  	[dreg:$0x2] =	wrdreg s2  }
0xb1: {  	[dreg:$0x3] =	wrdreg s18  }
0xb2: {  	[dreg:$0x4] =	wrdreg s24  }
0xb3: {  	[dreg:$0x5] =	wrdreg s4  }
0xb4: {  	[dreg:$0x6] =	wrdreg $0x9  }
0xb5: {  	_ =	task.clear_ibuf [dreg:s9], $0x7FFFF;
	_ =	strace $0x90000046  }
0xb6: {  	s29 =	simm.s32 $0x9;
	_ =	strace $0x80000048  }
0xb7: {  	_ =	swait.ge [sflag:s29], $0x1  }
0xb8: {  	[sflag:s29] =	ssyncadd.s32 $0xFFFFFFFF  }
0xb9: {  	_ =	strace $0x90000048  }
0xba: {  	_ =	sfence  }
0xbb: {  	s30 =	sld [smem:$0x0];
	_ =	sdelay $0x2  }
0xbc: {  	s31 =	sshll.u32 s1, $0xD;
	s1 =	sshrl.u32 s1, $0x2  }
0xbd: {  	s3 =	sand.u32 $0x4000, s31;
	s1 =	sadd.s32 s1, s30  }
0xbe: {  	s0 =	sor.u32 s3, s0;
	s1 =	sshll.u32 s1, $0x11  }
0xbf: {  	s0 =	sor.u32 s1, s0  }
0xc0: {  	s0 =	sadd.s32 $0x8F2B, s0  }
0xc1: {  	[sflag:s0] =	ssyncadd.remote.s32 $0x1  }
0xc2: {  	_ =	sfence.sel $0xFFFF  }
0xc3: {  	[dreg:$0x0] =	wrdreg $0xFFFFFFFF;
	(pc) =	sbr.abs _section_cstart, $3  }
0xc4: {  	[dreg:$0x1] =	wrdreg $0xFFFFFFFF  }
0xc5: {  	_ =	task.clear_ibuf [dreg:s9], $0x2FFFF;
	_ =	strace $0x9FFFFFFF  }
0xc6: {  	(tm) =	ssettm $0x7FFFFFFF  }
0xc7: {  	_ =	shalt  }
tec
execute0_lowered:
.L_overlay_start_1:
0x0: {  	(tag) =	ssettag $0x1  }
0x1: {  	s1 =	rddreg [dreg:$0x0]  }
0x2: {  	s2 =	rddreg [dreg:$0x1]  }
0x3: {  	s0 =	rddreg [dreg:$0x2]  }
0x4: {  	s3 =	rddreg [dreg:$0x3]  }
0x5: {  	s4 =	srdreg.scid;
	s5 =	simm.s32 $0x0;
	s7 =	stileid.u32  }
0x6: {  	s29 =	simm.s32 $0x3;
	s30 =	simm.s32 $0x13780;
	s4 =	sand.u32 $0x1, s4  }
0x7: {  	[smem:$0x7FF] =	sst s5;
	s21 =	sadd.s32 $0x400, s0;
	s6 =	sshll.u32 s4, $0x4  }
0x8: {  	s22 =	sadd.s32 $0xA00, s0;
	s0 =	sadd.s32 $0xC00, s0;
	s6 =	sor.u32 s7, s6  }
0x9: {  	_ =	strace $0x80000047;
	[dreg:$0x5] =	wrdreg s21;
	s23 =	smul.u32 $0x1900, s6  }
0xa: {  	[dreg:$0x6] =	wrdreg s22;
	s24 =	ssub.s32 $0x2, s4;
	s25 =	smul.u32 $0x640, s6  }
0xb: {  	[dreg:$0x7] =	wrdreg s0;
	s8 =	sshrl.u32 s24, $0x1;
	s9 =	smul.u32 $0x320, s6  }
0xc: {  	s0 =	ssub.s32 s24, s8;
	s14 =	sor.u32 $0x20, s6;
	s15 =	sor.u32 $0x40, s6  }
0xd: {  	s24 =	simm.s32 $0x1;
	s0 =	smax.u32 s0, $0x1;
	s7 =	sadd.s32 $0x32000, s23  }
.Ltmp0:
0xe: {  	s4 =	sadd.s32 s1, s25;
	[dreg:$0xc] =	wrdreg s0;
	(pc) =	sbr.rel .LBB2_1-.Ltmp0, $4  }
0xf: {  	s28 =	sadd.s32 s2, s9;
	[dreg:$0x8] =	wrdreg s4;
	s26 =	sshrl.u32 s7, $0x2  }
0x10: {  	[dreg:$0x9] =	wrdreg s28;
	s31 =	sshrl.u32 s7, $0x3;
	s4 =	sadd.s32 s1, s26  }
0x11: {  	s25 =	simm.s32 $0x10580;
	[dreg:$0xa] =	wrdreg s4;
	s4 =	sadd.s32 s2, s31  }
0x12: {  	s7 =	simm.s32 $0x0;
	s26 =	simm.s32 $0x2;
	[dreg:$0xb] =	wrdreg s4  }
.LBB2_13:
0x13: {  	s0 =	simm.s32 $0x4  }
0x14: {  	_ =	swait.ge [sflag:s0], $0x1900  }
0x15: {  	[sflag:s0] =	ssyncset.done $0x0  }
0x16: {  	s28 =	simm.s32 $0x5;
	[sflag:s0] =	ssyncadd.s32 $0xFFFFE700  }
0x17: {  	_ =	swait.ge [sflag:s28], $0x1900  }
0x18: {  	[sflag:s28] =	ssyncset.done $0x0  }
0x19: {  	s4 =	simm.s32 $0x6;
	[sflag:s28] =	ssyncadd.s32 $0xFFFFE700  }
0x1a: {  	_ =	swait.ge [sflag:s4], $0x1900  }
0x1b: {  	s7 =	rddreg [dreg:$0xd]  }
0x1c: {  	s31 =	rddreg [dreg:$0xc];
	s7 =	sadd.s32 $0x1, s7  }
0x1d: {  	p0 =	sne.s32 s7, s31  }
.Ltmp1:
0x1e: {  	_ = 	snop;
	(pc) =	sbr.rel @!p0 .LBB2_14-.Ltmp1, $3  }
0x1f: {  	_ =	sdelay $0x1  }
0x20: {  	[sflag:s4] =	ssyncset.done $0x0  }
0x21: {  	[sflag:s4] =	ssyncadd.s32 $0xFFFFE700  }
.LBB2_1:
0x22: {  	[dreg:$0xd] =	wrdreg s7  }
0x23: {  	s0 =	rddreg [dreg:$0x5]  }
0x24: {  	[tilespmem:s5], [sflag:$0x7] =	stream.linear.gather [hbm4b:s0+s5], $0x2380, $0x38;
	[tilespmem:$0x15080] =	vst v63  }
0x25: {  	s12 =	rddreg [dreg:$0x6];
	s4 =	simm.s32 $0x2380  }
0x26: {  	[tilespmem:s4], [sflag:$0x7] =	stream.linear.gather [hbm4b:s12+s5], $0x80, $0x38;
	[tilespmem:$0x15080] =	vst v63  }
0x27: {  	s13 =	rddreg [dreg:$0x7];
	s16 =	simm.s32 $0x2400  }
0x28: {  	[tilespmem:s16], [sflag:$0x7] =	stream.linear.gather [hbm4b:s13+s5], $0x80, $0x38;
	[tilespmem:$0x15080] =	vst v63  }
0x29: {  	s17 =	rddreg [dreg:$0x8];
	s18 =	simm.s32 $0x2480  }
0x2a: {  	[tilespmem:s18], [sflag:$0x1] =	stream.linear.gather [hbm4b:s17+s5], $0x3200, $0x38;
	[tilespmem:$0x15080] =	vst v63  }
0x2b: {  	s19 =	rddreg [dreg:$0x9];
	s20 =	simm.s32 $0xBA80  }
0x2c: {  	[tilespmem:s20], [sflag:$0x1] =	stream.linear.gather [hbm4b:s19+s5], $0x1900, $0x38;
	[tilespmem:$0x15080] =	vst v63  }
0x2d: {  	s21 =	rddreg [dreg:$0xa];
	s22 =	simm.s32 $0x5680  }
0x2e: {  	[tilespmem:s22], [sflag:$0x2] =	stream.linear.gather [hbm4b:s21+s5], $0x3200, $0x38;
	[tilespmem:$0x15080] =	vst v63  }
0x2f: {  	s23 =	rddreg [dreg:$0xb];
	s28 =	simm.s32 $0xD380;
	s31 =	simm.s32 $0x7  }
0x30: {  	[tilespmem:s28], [sflag:$0x2] =	stream.linear.gather [hbm4b:s23+s5], $0x1900, $0x38;
	[tilespmem:$0x15080] =	vst v63  }
0x31: {  	_ =	swait.ge [sflag:s31], $0x2380  }
0x32: {  	[sflag:s31] =	ssyncset.done $0x0  }
0x33: {  	[sflag:s31] =	ssyncadd.s32 $0xFFFFDC80  }
0x34: {  	_ =	swait.ge [sflag:s31], $0x80  }
0x35: {  	[sflag:s31] =	ssyncset.done $0x0  }
0x36: {  	[sflag:s31] =	ssyncadd.s32 $0xFFFFFF80  }
0x37: {  	_ =	swait.ge [sflag:s31], $0x80  }
0x38: {  	[sflag:s31] =	ssyncset.done $0x0  }
0x39: {  	[sflag:s31] =	ssyncadd.s32 $0xFFFFFF80  }
0x3a: {  	v1 =	vld [tilespmem:$0x2400]  }
.Ltmp2:
0x3b: {  	_ = 	snop;
	(pc) =	sbr.rel .LBB2_2-.Ltmp2, $2  }
0x3c: {  	_ =	sdelay $0x2  }
0x3d: {  	s18 =	simm.s32 $0x0;
	v0 =	vld [tilespmem:$0x2380];
	vm0 =	vlt.f32 v1, $5.000000000e-01  }
.LBB2_12:
0x3e: {  	s18 =	sadd.s32 $0x1, s18  }
0x3f: {  	p0 =	sne.s32 s18, $0xB  }
.Ltmp3:
0x40: {  	_ = 	snop;
	(pc) =	sbr.rel @!p0 .LBB2_13-.Ltmp3, $1  }
0x41: {  	_ =	sdelay $0x3  }
.LBB2_2:
0x42: {  	s19 =	smul.u32 $0x60, s18;
	_ =	sdelay $0x1  }
0x43: {  	s20 =	sor.u32 s6, s19  }
0x44: {  	p0 =	sgt.u32 s20, $0x3A7  }
0x45: {  	s0 =	sadd.s32 @!p0 $0x40, s20  }
0x46: {  	s7 =	smul.u32 @!p0 $0x640, s0  }
0x47: {  	s8 =	simm.s32 @!p0 $0x0  }
0x48: {  	s9 =	simm.s32 @!p0 $0x8880;
	s0 =	smul.u32 @!p0 $0x320, s0;
	s7 =	sadd.s32 @!p0 s1, s7  }
0x49: {  	[tilespmem:s9], [sflag:$0x3] =	stream.linear.gather @!p0 [hbm4b:s7+s8], $0x3200, $0x38;
	[tilespmem:$0x15080] =	vst v63  }
0x4a: {  	s0 =	sadd.s32 @!p0 s2, s0;
	s7 =	simm.s32 @!p0 $0xEC80  }
0x4b: {  	[tilespmem:s7], [sflag:$0x3] =	stream.linear.gather @!p0 [hbm4b:s0+s8], $0x1900, $0x38;
	[tilespmem:$0x15080] =	vst v63  }
0x4c: {  	_ =	swait.ge [sflag:s24], $0x3200  }
0x4d: {  	[sflag:s24] =	ssyncset.done $0x0  }
0x4e: {  	[sflag:s24] =	ssyncadd.s32 $0xFFFFCE00  }
0x4f: {  	_ =	swait.ge [sflag:s24], $0x1900  }
0x50: {  	s23 =	simm.s32 $0x0;
	p0 =	seq.s32 s18, $0x0;
	[sflag:s24] =	ssyncset.done $0x0  }
0x51: {  	s28 =	simm.s32 $0x0;
	s0 =	simm.s32 @!p0 $0x4;
	[sflag:s24] =	ssyncadd.s32 $0xFFFFE700  }
0x52: {  	s31 =	sand.u32 $0x40, s28;
	s7 =	sand.u32 $0x3F00, s23;
	_ =	swait.ge @!p0 [sflag:s0], $0x1900  }
0x53: {  	s10 =	sor.u32 $0x30, s31;
	s7 =	sadd.s32 $0x2480, s7;
	[sflag:s0] =	ssyncset.done @!p0 $0x0  }
0x54: {  	s4 =	sor.u32 $0x10, s31;
	s11 =	sor.u32 s10, s7;
	[sflag:s0] =	ssyncadd.s32 @!p0 $0xFFFFE700  }
0x55: {  	s12 =	sor.u32 s4, s7;
	v1 =	vld [tilespmem:s11+$0x0]  }
0x56: {  	s16 =	sor.u32 $0x20, s31;
	v2 =	vld [tilespmem:s12+$0x0]  }
0x57: {  	s13 =	sor.u32 s16, s7;
	v3 =	vld [tilespmem:s11+$0x80]  }
0x58: {  	s7 =	sor.u32 s31, s7;
	v4 =	vld [tilespmem:s13+$0x0]  }
0x59: {  	v5 =	vld [tilespmem:s7+$0x0]  }
0x5a: {  	v6 =	vld [tilespmem:s12+$0x80];
	v1 =	vmul.u32 $0x5F, v1  }
0x5b: {  	v7 =	vld [tilespmem:s13+$0x80]  }
0x5c: {  	v1 =	vadd.s32 v3, v1  }
0x5d: {  	s9 =	sand.u32 $0x1F80, s28;
	v8 =	vld [tilespmem:s7+$0x80];
	v2 =	vmul.u32 $0x5F, v2  }
0x5e: {  	s13 =	sor.u32 s9, s10;
	v3 =	vmul.u32 $0x5F, v4  }
0x5f: {  	v4 =	vmul.u32 $0x5F, v5;
	v2 =	vadd.s32 v6, v2;
	v5 =	vld [tilespmem:s13+$0xBA80]  }
0x60: {  	v3 =	vadd.s32 v7, v3  }
0x61: {  	s31 =	sor.u32 s9, s4;
	v1 =	vld.idx.msk [tilespmem:v1+s5+$0x0], $0xffff  }
0x62: {  	s16 =	sor.u32 s9, s16;
	v4 =	vadd.s32 v8, v4;
	v8 =	vld [tilespmem:s31+$0xBA80]  }
0x63: {  	v9 =	vld [tilespmem:s16+$0xBA80]  }
0x64: {  	v2 =	vld.idx.msk [tilespmem:v2+s5+$0x0], $0xffff;
	v7 =	vmul.f32 v5, v0  }
0x65: {  	s11 =	simm.s32 $0xBA80;
	v3 =	vld.idx.msk [tilespmem:v3+s5+$0x0], $0xffff  }
0x66: {  	v6 =	vld [tilespmem:s11+$0x0];
	v7 =	vadd.f32 v7, v1  }
0x67: {  	v10 =	vmul.f32 v8, v0  }
0x68: {  	s0 =	simm.s32 $0x40;
	s12 =	simm.s32 $0x80;
	v11 =	vmul.f32 v9, v0;
	v4 =	vld.idx.msk [tilespmem:v4+s5+$0x0], $0xffff;
	(erf) = vrcp.f32 v7  }
0x69: {  	s17 =	sand.u32 $0x40, s0;
	s7 =	sand.u32 $0x3F00, s12;
	v10 =	vadd.f32 v10, v2  }
0x6a: {  	s10 =	sor.u32 $0x30, s17;
	s7 =	sadd.s32 $0x2480, s7;
	v11 =	vadd.f32 v11, v3  }
0x6b: {  	s28 =	sor.u32 s10, s7;
	v7 =	vmul.f32 v6, v0;
	(erf) = vrcp.f32 v10  }
0x6c: {  	s22 =	simm.s32 $0xBAC0;
	s23 =	sor.u32 $0x10, s17;
	v10 =	vld [tilespmem:s28+$0x0];
	(erf) = vrcp.f32 v11  }
0x6d: {  	s4 =	sor.u32 s23, s7;
	v12 =	vadd.f32 v7, v4;
	v7 =	vld [tilespmem:s22+$0x0]  }
0x6e: {  	s22 =	sor.u32 $0x20, s17;
	v11 =	vld [tilespmem:s4+$0x0]  }
0x6f: {  	s21 =	sor.u32 s22, s7;
	(erf) = vrcp.f32 v12;
	v12 =	vld [tilespmem:s28+$0x80]  }
0x70: {  	s7 =	sor.u32 s17, s7;
	v13 =	vld [tilespmem:s21+$0x0]  }
0x71: {  	v14 =	vld [tilespmem:s7+$0x0];
	v15 =	vpop (erf)  }
0x72: {  	v16 =	vld [tilespmem:s4+$0x80];
	v10 =	vmul.u32 $0x5F, v10;
	v1 =	vmul.f32 v15, v1  }
0x73: {  	v17 =	vmul.f32 v7, v0;
	v15 =	vld [tilespmem:s21+$0x80]  }
0x74: {  	v18 =	vld [tilespmem:s7+$0x80];
	v11 =	vmul.u32 $0x5F, v11;
	v10 =	vadd.s32 v12, v10;
	v12 =	vpop (erf);
	v5 =	vmul.f32 v1, v5  }
0x75: {  	s17 =	sand.u32 $0x1F80, s0;
	v13 =	vmul.u32 $0x5F, v13;
	v2 =	vmul.f32 v12, v2;
	v12 =	vpop (erf);
	v1 =	vmul.f32 v1, v1  }
0x76: {  	s0 =	sor.u32 s17, s10;
	v14 =	vmul.u32 $0x5F, v14;
	v3 =	vmul.f32 v12, v3;
	v5 =	vmul.f32 v5, v5  }
0x77: {  	v11 =	vadd.s32 v16, v11;
	s21 =	sor.u32 s17, s23;
	v12 =	vld [tilespmem:s0+$0xBA80];
	v8 =	vmul.f32 v2, v8;
	v2 =	vmul.f32 v2, v2  }
0x78: {  	v16 =	vld [tilespmem:s21+$0xBA80];
	v19 =	vpop (erf);
	v1 =	vmul.f32 v1, v1;
	v13 =	vadd.s32 v15, v13;
	v15 =	vmul.f32 v5, v5  }
0x79: {  	s22 =	sor.u32 s17, s22;
	v14 =	vadd.s32 v18, v14;
	v4 =	vmul.f32 v19, v4;
	v10 =	vld.idx.msk [tilespmem:v10+s5+$0x0], $0xffff;
	v9 =	vmul.f32 v3, v9  }
0x7a: {  	v18 =	vld [tilespmem:s22+$0xBA80];
	v1 =	vmul.f32 v1, v1;
	v15 =	vmul.f32 v15, v5  }
0x7b: {  	v3 =	vmul.f32 v3, v3;
	v8 =	vmul.f32 v8, v8  }
0x7c: {  	v11 =	vld.idx.msk [tilespmem:v11+s5+$0x0], $0xffff;
	v15 =	vmul.f32 v15, v1;
	v1 =	vmul.f32 v12, v0  }
0x7d: {  	v2 =	vmul.f32 v2, v2;
	v6 =	vmul.f32 v4, v6;
	v13 =	vld.idx.msk [tilespmem:v13+s5+$0x0], $0xffff  }
0x7e: {  	v9 =	vmul.f32 v9, v9;
	v14 =	vld.idx.msk [tilespmem:v14+s5+$0x0], $0xffff;
	v19 =	vmul.f32 v16, v0;
	v1 =	vadd.f32 v1, v10  }
0x7f: {  	v20 =	vmul.f32 v18, v0;
	v4 =	vmul.f32 v4, v4  }
0x80: {  	s9 =	simm.s32 $0x80;
	s11 =	simm.s32 $0x100;
	v3 =	vmul.f32 v3, v3;
	(erf) = vrcp.f32 v1  }
0x81: {  	s7 =	sand.u32 $0x40, s9;
	s23 =	sand.u32 $0x3F00, s11;
	v21 =	vmul.f32 v8, v8;
	v2 =	vmul.f32 v2, v2;
	v1 =	vadd.f32 v19, v11  }
0x82: {  	s10 =	sor.u32 $0x30, s7;
	s8 =	sadd.s32 $0x2480, s23;
	v6 =	vmul.f32 v6, v6;
	v22 =	vmul.f32 v9, v9;
	v20 =	vadd.f32 v20, v13  }
0x83: {  	s4 =	sor.u32 s10, s8;
	v4 =	vmul.f32 v4, v4;
	v17 =	vadd.f32 v17, v14;
	(erf) = vrcp.f32 v1  }
0x84: {  	v19 =	vmul.f32 v6, v6;
	(erf) = vrcp.f32 v20;
	v20 =	vld [tilespmem:s4+$0x0]  }
0x85: {  	s23 =	sor.u32 $0x10, s7;
	(erf) = vrcp.f32 v17;
	v17 =	vmul.f32 v21, v8  }
0x86: {  	s17 =	sor.u32 s23, s8;
	v3 =	vmul.f32 v3, v3;
	v55 =	vmul.f32 v22, v9  }
0x87: {  	v23 =	vld [tilespmem:s17+$0x0];
	v24 =	vmul.f32 v4, v4;
	v19 =	vmul.f32 v19, v6  }
0x88: {  	v56 =	vld [tilespmem:s4+$0x80];
	v5 =	vmul.f32 v15, v5;
	v2 =	vmul.f32 v17, v2  }
0x89: {  	v58 =	vld [tilespmem:s17+$0x80];
	v3 =	vmul.f32 v55, v3;
	s4 =	sor.u32 $0x20, s7;
	s7 =	sor.u32 s7, s8;
	v19 =	vmul.f32 v19, v24;
	v20 =	vmul.u32 $0x5F, v20;
	v17 =	vpop (erf)  }
0x8a: {  	v15 =	vsel vm0, v5, v15;
	s28 =	sor.u32 s4, s8;
	v5 =	vmul.f32 v2, v8;
	v8 =	vld [tilespmem:s7+$0x0];
	v10 =	vmul.f32 v17, v10  }
0x8b: {  	s12 =	simm.s32 $0xBB00;
	v9 =	vmul.f32 v3, v9;
	v57 =	vld [tilespmem:s28+$0x0]  }
0x8c: {  	v59 =	vmul.u32 $0x5F, v23;
	v1 =	vld [tilespmem:s12+$0x0];
	v17 =	vmul.f32 v19, v6;
	v12 =	vmul.f32 v10, v12  }
0x8d: {  	v60 =	vld [tilespmem:s28+$0x80];
	v6 =	vadd.s32 v56, v20;
	v25 =	vsel vm0, v5, v2;
	v20 =	vpop (erf);
	v2 =	vmul.f32 v10, v10  }
0x8e: {  	v9 =	vsel vm0, v9, v3;
	v10 =	vld [tilespmem:s7+$0x80];
	v20 =	vmul.f32 v20, v11;
	v11 =	vpop (erf);
	v26 =	vmul.f32 v12, v12  }
0x8f: {  	s28 =	sand.u32 $0x1F80, s9;
	v8 =	vmul.u32 $0x5F, v8;
	v5 =	vpop (erf);
	v61 =	vmul.f32 v11, v13;
	v3 =	vmul.f32 v2, v2  }
0x90: {  	s7 =	sor.u32 s28, s10;
	v12 =	vmul.u32 $0x5F, v57;
	v14 =	vmul.f32 v5, v14;
	v13 =	vmul.f32 v20, v16  }
0x91: {  	s10 =	sor.u32 s28, s23;
	v5 =	vld [tilespmem:s7+$0xBA80];
	v11 =	vmul.f32 v26, v26;
	v16 =	vmul.f32 v61, v18;
	v18 =	vadd.s32 v58, v59  }
0x92: {  	[tilespmem:s13+$0x10580] =	vst v15;
	v4 =	vmul.f32 v1, v0;
	v2 =	vld [tilespmem:s10+$0xBA80];
	v15 =	vadd.s32 v60, v12  }
0x93: {  	s8 =	sor.u32 s28, s4;
	v6 =	vld.idx.msk [tilespmem:v6+s5+$0x0], $0xffff;
	v63 =	vmul.f32 v3, v3;
	v8 =	vadd.s32 v10, v8;
	v62 =	vmul.f32 v11, v26  }
0x94: {  	v3 =	vld [tilespmem:s8+$0xBA80];
	v7 =	vmul.f32 v14, v7;
	v14 =	vmul.f32 v14, v14  }
0x95: {  	s13 =	simm.s32 $0x10580;
	[tilespmem:s16+$0x10580] =	vst v9;
	v9 =	vsel vm0, v17, v19;
	v11 =	vmul.f32 v13, v13;
	v21 =	vmul.f32 v62, v63  }
0x96: {  	[tilespmem:s13+$0x0] =	vst v9;
	v10 =	vmul.f32 v16, v16;
	v16 =	vmul.f32 v5, v0;
	v9 =	vld.idx.msk [tilespmem:v18+s5+$0x0], $0xffff  }
0x97: {  	v12 =	vmul.f32 v7, v7;
	v7 =	vld.idx.msk [tilespmem:v15+s5+$0x0], $0xffff;
	v19 =	vmul.f32 v21, v26  }
0x98: {  	v13 =	vmul.f32 v20, v20;
	v18 =	vmul.f32 v2, v0;
	v20 =	vadd.f32 v16, v6;
	v8 =	vld.idx.msk [tilespmem:v8+s5+$0x0], $0xffff  }
0x99: {  	[tilespmem:s31+$0x10580] =	vst v25;
	v17 =	vmul.f32 v3, v0;
	v15 =	vmul.f32 v11, v11;
	v19 =	vsel vm0, v19, v21  }
0x9a: {  	v16 =	vmul.f32 v61, v61;
	(erf) = vrcp.f32 v20;
	[tilespmem:s0+$0x10580] =	vst v19  }
.LBB2_3:
0x9b: {  	s9 =	sadd.s32 $0x40, s9;
	v18 =	vadd.f32 v18, v9;
	s12 =	sadd.s32 $0x40, s12;
	s11 =	sadd.s32 $0x80, s11;
	v19 =	vmul.f32 v12, v12;
	v20 =	vmul.f32 v10, v10  }
0x9c: {  	v17 =	vadd.f32 v17, v7;
	v13 =	vmul.f32 v13, v13;
	v16 =	vmul.f32 v16, v16;
	s4 =	sand.u32 $0x40, s9;
	s0 =	sand.u32 $0x3F00, s11;
	p1 =	slt.u32 s9, $0x18C0  }
0x9d: {  	v14 =	vmul.f32 v14, v14;
	v4 =	vadd.f32 v4, v8;
	s17 =	sadd.s32 $0x2480, s0;
	v21 =	vld [tilespmem:s12+$0x0];
	s16 =	sor.u32 $0x10, s4;
	s0 =	sor.u32 $0x30, s4;
	(erf) = vrcp.f32 v18  }
0x9e: {  	v15 =	vmul.f32 v15, v11;
	s28 =	sor.u32 $0x20, s4;
	s23 =	sor.u32 s16, s17;
	s31 =	sor.u32 s0, s17;
	(erf) = vrcp.f32 v17  }
0x9f: {  	v18 =	vmul.f32 v20, v10;
	s4 =	sor.u32 s4, s17;
	s17 =	sor.u32 s28, s17;
	v17 =	vld [tilespmem:s31+$0x0];
	(erf) = vrcp.f32 v4  }
0xa0: {  	v19 =	vmul.f32 v19, v12;
	v13 =	vmul.f32 v13, v13;
	v20 =	vld [tilespmem:s23+$0x0]  }
0xa1: {  	v14 =	vmul.f32 v14, v14;
	v16 =	vmul.f32 v16, v16;
	v22 =	vld [tilespmem:s31+$0x80]  }
0xa2: {  	v13 =	vmul.f32 v15, v13;
	v4 =	vmul.f32 v21, v0;
	v23 =	vld [tilespmem:s17+$0x0]  }
0xa3: {  	v14 =	vmul.f32 v19, v14;
	v16 =	vmul.f32 v18, v16;
	v15 =	vld [tilespmem:s4+$0x0];
	v24 =	vpop (erf)  }
0xa4: {  	v11 =	vmul.f32 v13, v11;
	v18 =	vld [tilespmem:s23+$0x80];
	v17 =	vmul.u32 $0x5F, v17;
	v6 =	vmul.f32 v24, v6  }
0xa5: {  	v12 =	vmul.f32 v14, v12;
	v10 =	vmul.f32 v16, v10;
	v19 =	vmul.u32 $0x5F, v20;
	v20 =	vld [tilespmem:s17+$0x80]  }
0xa6: {  	v11 =	vsel vm0, v11, v13;
	v24 =	vld [tilespmem:s4+$0x80];
	v17 =	vadd.s32 v22, v17;
	v25 =	vmul.f32 v6, v5;
	v22 =	vpop (erf)  }
0xa7: {  	v10 =	vsel vm0, v10, v16;
	v13 =	vmul.u32 $0x5F, v23;
	v22 =	vmul.f32 v22, v9;
	v9 =	vpop (erf);
	[tilespmem:s21+$0x10580] =	vst v11;
	s21 =	smov.u32 s10  }
0xa8: {  	s4 =	sand.u32 $0x1F80, s9;
	v6 =	vmul.f32 v6, v6;
	v11 =	vmul.u32 $0x5F, v15;
	v15 =	vmul.f32 v25, v25;
	v5 =	vpop (erf);
	[tilespmem:s22+$0x10580] =	vst v10;
	s22 =	smov.u32 s8  }
0xa9: {  	s10 =	sor.u32 s4, s16;
	s0 =	sor.u32 s4, s0;
	s8 =	sor.u32 s4, s28;
	v16 =	vmul.f32 v9, v7;
	v10 =	vadd.s32 v18, v19;
	v19 =	vmul.f32 v5, v8  }
0xaa: {  	v8 =	vmul.f32 v6, v6;
	v7 =	vadd.s32 v20, v13;
	v5 =	vld [tilespmem:s0+$0xBA80];
	v9 =	vmul.f32 v15, v15  }
0xab: {  	v13 =	vadd.s32 v24, v11;
	v6 =	vld.idx.msk [tilespmem:v17+s5+$0x0], $0xffff;
	v11 =	vmul.f32 v22, v2;
	v17 =	vmul.f32 v16, v3  }
0xac: {  	s13 =	sadd.s32 $0x40, s13;
	v8 =	vmul.f32 v8, v8;
	v2 =	vld [tilespmem:s10+$0xBA80];
	v18 =	vmul.f32 v9, v15;
	v9 =	vsel vm0, v12, v14  }
0xad: {  	v12 =	vmul.f32 v19, v1;
	v1 =	vmov v21;
	v3 =	vld [tilespmem:s8+$0xBA80];
	v11 =	vmul.f32 v11, v11;
	[tilespmem:s13+$0x0] =	vst v9  }
0xae: {  	v9 =	vld.idx.msk [tilespmem:v10+s5+$0x0], $0xffff;
	v10 =	vmul.f32 v17, v17;
	v20 =	vmul.f32 v18, v8  }
.Ltmp4:
0xaf: {  	v12 =	vmul.f32 v12, v12;
	v7 =	vld.idx.msk [tilespmem:v7+s5+$0x0], $0xffff;
	v14 =	vmul.f32 v5, v0;
	(pc) =	sbr.rel @p1 .LBB2_3-.Ltmp4, $4  }
0xb0: {  	v8 =	vld.idx.msk [tilespmem:v13+s5+$0x0], $0xffff;
	v13 =	vmul.f32 v22, v22;
	v15 =	vmul.f32 v20, v15  }
0xb1: {  	v16 =	vmul.f32 v16, v16;
	v18 =	vmul.f32 v2, v0;
	v21 =	vadd.f32 v14, v6  }
0xb2: {  	v14 =	vmul.f32 v19, v19;
	v17 =	vmul.f32 v3, v0;
	v19 =	vsel vm0, v15, v20  }
0xb3: {  	v15 =	vmul.f32 v11, v11;
	(erf) = vrcp.f32 v21;
	[tilespmem:s7+$0x10580] =	vst v19;
	s7 =	smov.u32 s0  }
0xb4: {  	v18 =	vadd.f32 v18, v9  }
0xb5: {  	v17 =	vadd.f32 v17, v7;
	v19 =	vmul.f32 v12, v12;
	v44 =	vmul.f32 v10, v10  }
0xb6: {  	v13 =	vmul.f32 v13, v13;
	v4 =	vadd.f32 v4, v8;
	(erf) = vrcp.f32 v18  }
0xb7: {  	v45 =	vmul.f32 v16, v16;
	(erf) = vrcp.f32 v17  }
0xb8: {  	v14 =	vmul.f32 v14, v14;
	(erf) = vrcp.f32 v4  }
0xb9: {  	v15 =	vmul.f32 v15, v11;
	v47 =	vmul.f32 v19, v12  }
0xba: {  	v13 =	vmul.f32 v13, v13;
	v14 =	vmul.f32 v14, v14  }
0xbb: {  	v46 =	vmul.f32 v44, v10;
	v4 =	vmul.f32 v45, v45  }
0xbc: {  	v13 =	vmul.f32 v15, v13;
	v14 =	vmul.f32 v47, v14;
	v48 =	vpop (erf)  }
0xbd: {  	v4 =	vmul.f32 v46, v4;
	v6 =	vmul.f32 v48, v6  }
0xbe: {  	v49 =	vmul.f32 v13, v11;
	v51 =	vmul.f32 v14, v12  }
0xbf: {  	v52 =	vmul.f32 v4, v10;
	v5 =	vmul.f32 v6, v5;
	v50 =	vpop (erf)  }
0xc0: {  	v6 =	vmul.f32 v6, v6;
	v53 =	vpop (erf);
	v54 =	vmul.f32 v50, v9  }
0xc1: {  	v5 =	vmul.f32 v5, v5;
	v55 =	vpop (erf);
	v57 =	vmul.f32 v53, v7  }
0xc2: {  	v6 =	vmul.f32 v6, v6;
	v56 =	vmul.f32 v55, v8  }
0xc3: {  	v2 =	vmul.f32 v54, v2;
	v9 =	vmul.f32 v54, v54  }
0xc4: {  	v58 =	vmul.f32 v5, v5;
	v3 =	vmul.f32 v57, v3  }
0xc5: {  	v6 =	vmul.f32 v6, v6;
	v7 =	vmul.f32 v57, v57  }
0xc6: {  	v1 =	vmul.f32 v56, v1;
	v2 =	vmul.f32 v2, v2  }
0xc7: {  	v8 =	vmul.f32 v56, v56;
	v9 =	vmul.f32 v9, v9  }
0xc8: {  	v15 =	vmul.f32 v58, v5;
	v3 =	vmul.f32 v3, v3  }
0xc9: {  	v7 =	vmul.f32 v7, v7;
	v1 =	vmul.f32 v1, v1  }
0xca: {  	v59 =	vmul.f32 v2, v2;
	v8 =	vmul.f32 v8, v8  }
0xcb: {  	v9 =	vmul.f32 v9, v9;
	v6 =	vmul.f32 v15, v6  }
0xcc: {  	v61 =	vmul.f32 v3, v3;
	v7 =	vmul.f32 v7, v7  }
0xcd: {  	v60 =	vmul.f32 v1, v1;
	v15 =	vmul.f32 v59, v2  }
0xce: {  	v8 =	vmul.f32 v8, v8;
	v17 =	vmul.f32 v61, v3  }
0xcf: {  	v11 =	vsel vm0, v49, v13;
	v16 =	vmul.f32 v60, v1;
	v9 =	vmul.f32 v15, v9  }
0xd0: {  	s0 =	sadd.s32 $0x40, s13;
	v62 =	vsel vm0, v51, v14;
	[tilespmem:s21+$0x10580] =	vst v11;
	v5 =	vmul.f32 v6, v5;
	v7 =	vmul.f32 v17, v7  }
0xd1: {  	s4 =	smul.u32 $0x320, s20;
	s20 =	sadd.s32 s14, s19;
	[tilespmem:s0+$0x0] =	vst v62;
	v4 =	vsel vm0, v52, v4;
	v8 =	vmul.f32 v16, v8;
	v2 =	vmul.f32 v9, v2  }
0xd2: {  	p1 =	sgt.u32 s20, $0x3E7;
	[tilespmem:s22+$0x10580] =	vst v4;
	v63 =	vsel vm0, v5, v6;
	v3 =	vmul.f32 v7, v3  }
.Ltmp5:
0xd3: {  	[tilespmem:s7+$0x10580] =	vst v63;
	v1 =	vmul.f32 v8, v1;
	v2 =	vsel vm0, v2, v9;
	(pc) =	sbr.rel @p1 .LBB2_8-.Ltmp5, $4  }
0xd4: {  	[tilespmem:s10+$0x10580] =	vst v2;
	v2 =	vsel vm0, v3, v7  }
0xd5: {  	s0 =	sadd.s32 $0x40, s0;
	[tilespmem:s8+$0x10580] =	vst v2;
	v1 =	vsel vm0, v1, v8  }
0xd6: {  	s31 =	sadd.s32 s3, s4;
	[tilespmem:s0+$0x0] =	vst v1  }
0xd7: {  	[hbm4b:s31+s5] =	stream.linear.scatter [tilespmem:s25], [sflag:$0x4], $0x1900, $0x38;
	[tilespmem:$0x15080] =	vst v63  }
0xd8: {  	p1 =	sgt.u32 s20, $0x3A7  }
0xd9: {  	s0 =	sadd.s32 @!p1 $0x40, s20  }
0xda: {  	s4 =	smul.u32 @!p1 $0x640, s0  }
0xdb: {  	s7 =	simm.s32 @!p1 $0x0  }
0xdc: {  	s8 =	simm.s32 @!p1 $0x2480;
	s0 =	smul.u32 @!p1 $0x320, s0;
	s4 =	sadd.s32 @!p1 s1, s4  }
0xdd: {  	[tilespmem:s8], [sflag:$0x1] =	stream.linear.gather @!p1 [hbm4b:s4+s7], $0x3200, $0x38;
	[tilespmem:$0x15080] =	vst v63  }
0xde: {  	s0 =	sadd.s32 @!p1 s2, s0;
	s4 =	simm.s32 @!p1 $0xBA80  }
0xdf: {  	[tilespmem:s4], [sflag:$0x1] =	stream.linear.gather @!p1 [hbm4b:s0+s7], $0x1900, $0x38;
	[tilespmem:$0x15080] =	vst v63  }
0xe0: {  	_ =	swait.ge [sflag:s26], $0x3200  }
0xe1: {  	[sflag:s26] =	ssyncset.done $0x0  }
0xe2: {  	[sflag:s26] =	ssyncadd.s32 $0xFFFFCE00  }
0xe3: {  	_ =	swait.ge [sflag:s26], $0x1900  }
0xe4: {  	s17 =	simm.s32 $0x0;
	[sflag:s26] =	ssyncset.done $0x0  }
0xe5: {  	s21 =	simm.s32 $0x0;
	s0 =	simm.s32 @!p0 $0x5;
	[sflag:s26] =	ssyncadd.s32 $0xFFFFE700  }
0xe6: {  	s22 =	sand.u32 $0x40, s21;
	s4 =	sand.u32 $0x3F00, s17;
	_ =	swait.ge @!p0 [sflag:s0], $0x1900  }
0xe7: {  	s9 =	sor.u32 $0x30, s22;
	s4 =	sadd.s32 $0x5680, s4;
	[sflag:s0] =	ssyncset.done @!p0 $0x0  }
0xe8: {  	s23 =	sor.u32 $0x10, s22;
	s10 =	sor.u32 s9, s4;
	[sflag:s0] =	ssyncadd.s32 @!p0 $0xFFFFE700  }
0xe9: {  	s11 =	sor.u32 s23, s4;
	v1 =	vld [tilespmem:s10+$0x0]  }
0xea: {  	s12 =	sor.u32 $0x20, s22;
	v2 =	vld [tilespmem:s11+$0x0]  }
0xeb: {  	s13 =	sor.u32 s12, s4;
	v3 =	vld [tilespmem:s10+$0x80]  }
0xec: {  	s4 =	sor.u32 s22, s4;
	v4 =	vld [tilespmem:s13+$0x0]  }
0xed: {  	v5 =	vld [tilespmem:s4+$0x0]  }
0xee: {  	v6 =	vld [tilespmem:s11+$0x80];
	v1 =	vmul.u32 $0x5F, v1;
	_ =	sdelay $0x1  }
0xef: {  	v7 =	vld [tilespmem:s13+$0x80];
	v1 =	vadd.s32 v3, v1  }
0xf0: {  	s28 =	sand.u32 $0x1F80, s21;
	v8 =	vld [tilespmem:s4+$0x80];
	v2 =	vmul.u32 $0x5F, v2  }
0xf1: {  	s13 =	sor.u32 s28, s9  }
0xf2: {  	s31 =	simm.s32 $0xD380;
	v3 =	vmul.u32 $0x5F, v4;
	v4 =	vmul.u32 $0x5F, v5;
	v2 =	vadd.s32 v6, v2;
	v5 =	vld [tilespmem:s13+$0xD380]  }
0xf3: {  	v6 =	vld [tilespmem:s31+$0x0]  }
0xf4: {  	s31 =	sor.u32 s28, s23;
	v3 =	vadd.s32 v7, v3;
	v1 =	vld.idx.msk [tilespmem:v1+s5+$0x0], $0xffff  }
0xf5: {  	s16 =	sor.u32 s28, s12;
	v4 =	vadd.s32 v8, v4;
	v8 =	vld [tilespmem:s31+$0xD380]  }
0xf6: {  	v9 =	vld [tilespmem:s16+$0xD380]  }
0xf7: {  	s8 =	simm.s32 $0x80;
	s0 =	simm.s32 $0x40;
	v2 =	vld.idx.msk [tilespmem:v2+s5+$0x0], $0xffff;
	v7 =	vmul.f32 v5, v0  }
0xf8: {  	s9 =	sand.u32 $0x40, s0;
	s4 =	sand.u32 $0x3F00, s8  }
0xf9: {  	s4 =	sadd.s32 $0x5680, s4;
	s12 =	sor.u32 $0x30, s9;
	v3 =	vld.idx.msk [tilespmem:v3+s5+$0x0], $0xffff;
	v7 =	vadd.f32 v7, v1  }
0xfa: {  	s21 =	sor.u32 $0x10, s9;
	s22 =	sor.u32 s12, s4;
	s28 =	sor.u32 $0x20, s9;
	v4 =	vld.idx.msk [tilespmem:v4+s5+$0x0], $0xffff;
	v10 =	vmul.f32 v8, v0  }
0xfb: {  	s23 =	sor.u32 s21, s4;
	s17 =	sor.u32 s28, s4;
	s4 =	sor.u32 s9, s4;
	(erf) = vrcp.f32 v7  }
0xfc: {  	v11 =	vmul.f32 v9, v0;
	v14 =	vld [tilespmem:s4+$0x0];
	v10 =	vadd.f32 v10, v2  }
0xfd: {  	v13 =	vld [tilespmem:s17+$0x0];
	v7 =	vmul.f32 v6, v0  }
0xfe: {  	v18 =	vld [tilespmem:s4+$0x80];
	v11 =	vadd.f32 v11, v3;
	(erf) = vrcp.f32 v10  }
0xff: {  	s11 =	simm.s32 $0xD3C0;
	v10 =	vld [tilespmem:s22+$0x0];
	v12 =	vadd.f32 v7, v4  }
0x100: {  	v7 =	vld [tilespmem:s11+$0x0];
	(erf) = vrcp.f32 v11  }
0x101: {  	v14 =	vmul.u32 $0x5F, v14;
	(erf) = vrcp.f32 v12;
	v12 =	vld [tilespmem:s22+$0x80];
	s22 =	sand.u32 $0x1F80, s0  }
0x102: {  	v11 =	vld [tilespmem:s23+$0x0];
	s0 =	sor.u32 s22, s12;
	s21 =	sor.u32 s22, s21;
	s22 =	sor.u32 s22, s28  }
0x103: {  	v14 =	vadd.s32 v18, v14;
	v18 =	vld [tilespmem:s22+$0xD380]  }
0x104: {  	v16 =	vld [tilespmem:s23+$0x80];
	v15 =	vpop (erf)  }
0x105: {  	v10 =	vmul.u32 $0x5F, v10;
	v1 =	vmul.f32 v15, v1  }
0x106: {  	v17 =	vmul.f32 v7, v0;
	v15 =	vld [tilespmem:s17+$0x80]  }
0x107: {  	v11 =	vmul.u32 $0x5F, v11;
	v10 =	vadd.s32 v12, v10;
	v12 =	vpop (erf);
	v5 =	vmul.f32 v1, v5  }
0x108: {  	v13 =	vmul.u32 $0x5F, v13;
	v2 =	vmul.f32 v12, v2;
	v20 =	vmul.f32 v18, v0  }
0x109: {  	v11 =	vadd.s32 v16, v11;
	v16 =	vld [tilespmem:s21+$0xD380];
	v12 =	vpop (erf);
	v1 =	vmul.f32 v1, v1;
	v5 =	vmul.f32 v5, v5  }
0x10a: {  	v3 =	vmul.f32 v12, v3;
	v12 =	vld [tilespmem:s0+$0xD380];
	v8 =	vmul.f32 v2, v8  }
0x10b: {  	v19 =	vpop (erf);
	v1 =	vmul.f32 v1, v1;
	v13 =	vadd.s32 v15, v13;
	v15 =	vmul.f32 v5, v5  }
0x10c: {  	v2 =	vmul.f32 v2, v2;
	v4 =	vmul.f32 v19, v4;
	v10 =	vld.idx.msk [tilespmem:v10+s5+$0x0], $0xffff  }
0x10d: {  	v1 =	vmul.f32 v1, v1;
	v15 =	vmul.f32 v15, v5  }
0x10e: {  	v9 =	vmul.f32 v3, v9;
	v19 =	vmul.f32 v16, v0  }
0x10f: {  	v11 =	vld.idx.msk [tilespmem:v11+s5+$0x0], $0xffff;
	v15 =	vmul.f32 v15, v1;
	v1 =	vmul.f32 v12, v0  }
0x110: {  	v3 =	vmul.f32 v3, v3;
	v8 =	vmul.f32 v8, v8;
	v13 =	vld.idx.msk [tilespmem:v13+s5+$0x0], $0xffff  }
0x111: {  	v14 =	vld.idx.msk [tilespmem:v14+s5+$0x0], $0xffff;
	v2 =	vmul.f32 v2, v2;
	v6 =	vmul.f32 v4, v6;
	v1 =	vadd.f32 v1, v10  }
0x112: {  	v9 =	vmul.f32 v9, v9;
	v4 =	vmul.f32 v4, v4  }
0x113: {  	s9 =	simm.s32 $0x80;
	s11 =	simm.s32 $0x100;
	v3 =	vmul.f32 v3, v3;
	(erf) = vrcp.f32 v1  }
0x114: {  	s4 =	sand.u32 $0x40, s9;
	s23 =	sand.u32 $0x3F00, s11;
	v21 =	vmul.f32 v8, v8;
	v2 =	vmul.f32 v2, v2;
	v1 =	vadd.f32 v19, v11  }
0x115: {  	s8 =	sor.u32 $0x30, s4;
	s7 =	sadd.s32 $0x5680, s23;
	v6 =	vmul.f32 v6, v6;
	v22 =	vmul.f32 v9, v9;
	v20 =	vadd.f32 v20, v13  }
0x116: {  	s28 =	sor.u32 s8, s7;
	v17 =	vadd.f32 v17, v14;
	v4 =	vmul.f32 v4, v4;
	(erf) = vrcp.f32 v1  }
0x117: {  	v19 =	vmul.f32 v6, v6;
	(erf) = vrcp.f32 v20;
	v20 =	vld [tilespmem:s28+$0x0]  }
0x118: {  	s17 =	sor.u32 $0x10, s4;
	(erf) = vrcp.f32 v17;
	v17 =	vmul.f32 v21, v8  }
0x119: {  	s23 =	sor.u32 s17, s7;
	v3 =	vmul.f32 v3, v3;
	v55 =	vmul.f32 v22, v9  }
0x11a: {  	v23 =	vld [tilespmem:s23+$0x0];
	v24 =	vmul.f32 v4, v4;
	v19 =	vmul.f32 v19, v6  }
0x11b: {  	v56 =	vld [tilespmem:s28+$0x80];
	v5 =	vmul.f32 v15, v5;
	v2 =	vmul.f32 v17, v2  }
0x11c: {  	v58 =	vld [tilespmem:s23+$0x80];
	v3 =	vmul.f32 v55, v3;
	s28 =	sor.u32 $0x20, s4;
	s4 =	sor.u32 s4, s7;
	v19 =	vmul.f32 v19, v24;
	v20 =	vmul.u32 $0x5F, v20;
	v17 =	vpop (erf)  }
0x11d: {  	v15 =	vsel vm0, v5, v15;
	s10 =	sor.u32 s28, s7;
	v5 =	vmul.f32 v2, v8;
	v8 =	vld [tilespmem:s4+$0x0];
	v10 =	vmul.f32 v17, v10  }
0x11e: {  	s12 =	simm.s32 $0xD400;
	v9 =	vmul.f32 v3, v9;
	v57 =	vld [tilespmem:s10+$0x0]  }
0x11f: {  	v59 =	vmul.u32 $0x5F, v23;
	v1 =	vld [tilespmem:s12+$0x0];
	v17 =	vmul.f32 v19, v6;
	v12 =	vmul.f32 v10, v12  }
0x120: {  	v60 =	vld [tilespmem:s10+$0x80];
	v6 =	vadd.s32 v56, v20;
	v25 =	vsel vm0, v5, v2;
	v20 =	vpop (erf);
	v2 =	vmul.f32 v10, v10  }
0x121: {  	v9 =	vsel vm0, v9, v3;
	v10 =	vld [tilespmem:s4+$0x80];
	v20 =	vmul.f32 v20, v11;
	v11 =	vpop (erf);
	v26 =	vmul.f32 v12, v12  }
0x122: {  	s23 =	sand.u32 $0x1F80, s9;
	v8 =	vmul.u32 $0x5F, v8;
	v5 =	vpop (erf);
	v61 =	vmul.f32 v11, v13;
	v3 =	vmul.f32 v2, v2  }
0x123: {  	s7 =	sor.u32 s23, s8;
	v12 =	vmul.u32 $0x5F, v57;
	v14 =	vmul.f32 v5, v14;
	v13 =	vmul.f32 v20, v16  }
0x124: {  	s10 =	sor.u32 s23, s17;
	v5 =	vld [tilespmem:s7+$0xD380];
	v11 =	vmul.f32 v26, v26;
	v16 =	vmul.f32 v61, v18;
	v18 =	vadd.s32 v58, v59  }
0x125: {  	[tilespmem:s13+$0x11E80] =	vst v15;
	v4 =	vmul.f32 v1, v0;
	v2 =	vld [tilespmem:s10+$0xD380];
	v15 =	vadd.s32 v60, v12  }
0x126: {  	s8 =	sor.u32 s23, s28;
	v6 =	vld.idx.msk [tilespmem:v6+s5+$0x0], $0xffff;
	v63 =	vmul.f32 v3, v3;
	v8 =	vadd.s32 v10, v8;
	v62 =	vmul.f32 v11, v26  }
0x127: {  	v3 =	vld [tilespmem:s8+$0xD380];
	v7 =	vmul.f32 v14, v7;
	v14 =	vmul.f32 v14, v14  }
0x128: {  	s13 =	simm.s32 $0x11E80;
	[tilespmem:s16+$0x11E80] =	vst v9;
	v9 =	vsel vm0, v17, v19;
	v11 =	vmul.f32 v13, v13;
	v21 =	vmul.f32 v62, v63  }
0x129: {  	[tilespmem:s13+$0x0] =	vst v9;
	v10 =	vmul.f32 v16, v16;
	v16 =	vmul.f32 v5, v0;
	v9 =	vld.idx.msk [tilespmem:v18+s5+$0x0], $0xffff  }
0x12a: {  	v12 =	vmul.f32 v7, v7;
	v7 =	vld.idx.msk [tilespmem:v15+s5+$0x0], $0xffff;
	v19 =	vmul.f32 v21, v26  }
0x12b: {  	v13 =	vmul.f32 v20, v20;
	v18 =	vmul.f32 v2, v0;
	v20 =	vadd.f32 v16, v6;
	v8 =	vld.idx.msk [tilespmem:v8+s5+$0x0], $0xffff  }
0x12c: {  	[tilespmem:s31+$0x11E80] =	vst v25;
	v17 =	vmul.f32 v3, v0;
	v15 =	vmul.f32 v11, v11;
	v19 =	vsel vm0, v19, v21  }
0x12d: {  	v16 =	vmul.f32 v61, v61;
	(erf) = vrcp.f32 v20;
	[tilespmem:s0+$0x11E80] =	vst v19  }
.LBB2_6:
0x12e: {  	s9 =	sadd.s32 $0x40, s9;
	v18 =	vadd.f32 v18, v9;
	s12 =	sadd.s32 $0x40, s12;
	s11 =	sadd.s32 $0x80, s11;
	v19 =	vmul.f32 v12, v12;
	v20 =	vmul.f32 v10, v10  }
0x12f: {  	v17 =	vadd.f32 v17, v7;
	v13 =	vmul.f32 v13, v13;
	v16 =	vmul.f32 v16, v16;
	s4 =	sand.u32 $0x40, s9;
	s0 =	sand.u32 $0x3F00, s11;
	p1 =	slt.u32 s9, $0x18C0  }
0x130: {  	v14 =	vmul.f32 v14, v14;
	v4 =	vadd.f32 v4, v8;
	s17 =	sadd.s32 $0x5680, s0;
	v21 =	vld [tilespmem:s12+$0x0];
	s16 =	sor.u32 $0x10, s4;
	s0 =	sor.u32 $0x30, s4;
	(erf) = vrcp.f32 v18  }
0x131: {  	v15 =	vmul.f32 v15, v11;
	s28 =	sor.u32 $0x20, s4;
	s23 =	sor.u32 s16, s17;
	s31 =	sor.u32 s0, s17;
	(erf) = vrcp.f32 v17  }
0x132: {  	v18 =	vmul.f32 v20, v10;
	s4 =	sor.u32 s4, s17;
	s17 =	sor.u32 s28, s17;
	v17 =	vld [tilespmem:s31+$0x0];
	(erf) = vrcp.f32 v4  }
0x133: {  	v19 =	vmul.f32 v19, v12;
	v13 =	vmul.f32 v13, v13;
	v20 =	vld [tilespmem:s23+$0x0]  }
0x134: {  	v14 =	vmul.f32 v14, v14;
	v16 =	vmul.f32 v16, v16;
	v22 =	vld [tilespmem:s31+$0x80]  }
0x135: {  	v13 =	vmul.f32 v15, v13;
	v4 =	vmul.f32 v21, v0;
	v23 =	vld [tilespmem:s17+$0x0]  }
0x136: {  	v14 =	vmul.f32 v19, v14;
	v16 =	vmul.f32 v18, v16;
	v15 =	vld [tilespmem:s4+$0x0];
	v24 =	vpop (erf)  }
0x137: {  	v11 =	vmul.f32 v13, v11;
	v18 =	vld [tilespmem:s23+$0x80];
	v17 =	vmul.u32 $0x5F, v17;
	v6 =	vmul.f32 v24, v6  }
0x138: {  	v12 =	vmul.f32 v14, v12;
	v10 =	vmul.f32 v16, v10;
	v19 =	vmul.u32 $0x5F, v20;
	v20 =	vld [tilespmem:s17+$0x80]  }
0x139: {  	v11 =	vsel vm0, v11, v13;
	v24 =	vld [tilespmem:s4+$0x80];
	v17 =	vadd.s32 v22, v17;
	v25 =	vmul.f32 v6, v5;
	v22 =	vpop (erf)  }
0x13a: {  	v10 =	vsel vm0, v10, v16;
	v13 =	vmul.u32 $0x5F, v23;
	v22 =	vmul.f32 v22, v9;
	v9 =	vpop (erf);
	[tilespmem:s21+$0x11E80] =	vst v11;
	s21 =	smov.u32 s10  }
0x13b: {  	s4 =	sand.u32 $0x1F80, s9;
	v6 =	vmul.f32 v6, v6;
	v11 =	vmul.u32 $0x5F, v15;
	v15 =	vmul.f32 v25, v25;
	v5 =	vpop (erf);
	[tilespmem:s22+$0x11E80] =	vst v10;
	s22 =	smov.u32 s8  }
0x13c: {  	s10 =	sor.u32 s4, s16;
	s0 =	sor.u32 s4, s0;
	s8 =	sor.u32 s4, s28;
	v16 =	vmul.f32 v9, v7;
	v10 =	vadd.s32 v18, v19;
	v19 =	vmul.f32 v5, v8  }
0x13d: {  	v8 =	vmul.f32 v6, v6;
	v7 =	vadd.s32 v20, v13;
	v5 =	vld [tilespmem:s0+$0xD380];
	v9 =	vmul.f32 v15, v15  }
0x13e: {  	v13 =	vadd.s32 v24, v11;
	v6 =	vld.idx.msk [tilespmem:v17+s5+$0x0], $0xffff;
	v11 =	vmul.f32 v22, v2;
	v17 =	vmul.f32 v16, v3  }
0x13f: {  	s13 =	sadd.s32 $0x40, s13;
	v8 =	vmul.f32 v8, v8;
	v2 =	vld [tilespmem:s10+$0xD380];
	v18 =	vmul.f32 v9, v15;
	v9 =	vsel vm0, v12, v14  }
0x140: {  	v12 =	vmul.f32 v19, v1;
	v1 =	vmov v21;
	v3 =	vld [tilespmem:s8+$0xD380];
	v11 =	vmul.f32 v11, v11;
	[tilespmem:s13+$0x0] =	vst v9  }
0x141: {  	v9 =	vld.idx.msk [tilespmem:v10+s5+$0x0], $0xffff;
	v10 =	vmul.f32 v17, v17;
	v20 =	vmul.f32 v18, v8  }
.Ltmp6:
0x142: {  	v12 =	vmul.f32 v12, v12;
	v7 =	vld.idx.msk [tilespmem:v7+s5+$0x0], $0xffff;
	v14 =	vmul.f32 v5, v0;
	(pc) =	sbr.rel @p1 .LBB2_6-.Ltmp6, $4  }
0x143: {  	v8 =	vld.idx.msk [tilespmem:v13+s5+$0x0], $0xffff;
	v13 =	vmul.f32 v22, v22;
	v15 =	vmul.f32 v20, v15  }
0x144: {  	v16 =	vmul.f32 v16, v16;
	v18 =	vmul.f32 v2, v0;
	v21 =	vadd.f32 v14, v6  }
0x145: {  	v14 =	vmul.f32 v19, v19;
	v17 =	vmul.f32 v3, v0;
	v19 =	vsel vm0, v15, v20  }
0x146: {  	v15 =	vmul.f32 v11, v11;
	(erf) = vrcp.f32 v21;
	[tilespmem:s7+$0x11E80] =	vst v19;
	s7 =	smov.u32 s0  }
0x147: {  	v18 =	vadd.f32 v18, v9  }
0x148: {  	v17 =	vadd.f32 v17, v7;
	v19 =	vmul.f32 v12, v12;
	v44 =	vmul.f32 v10, v10  }
0x149: {  	v13 =	vmul.f32 v13, v13;
	v4 =	vadd.f32 v4, v8;
	(erf) = vrcp.f32 v18  }
0x14a: {  	v45 =	vmul.f32 v16, v16;
	(erf) = vrcp.f32 v17  }
0x14b: {  	v14 =	vmul.f32 v14, v14;
	(erf) = vrcp.f32 v4  }
0x14c: {  	v15 =	vmul.f32 v15, v11;
	v47 =	vmul.f32 v19, v12  }
0x14d: {  	v13 =	vmul.f32 v13, v13;
	v14 =	vmul.f32 v14, v14  }
0x14e: {  	v46 =	vmul.f32 v44, v10;
	v4 =	vmul.f32 v45, v45  }
0x14f: {  	v13 =	vmul.f32 v15, v13;
	v14 =	vmul.f32 v47, v14;
	v48 =	vpop (erf)  }
0x150: {  	v4 =	vmul.f32 v46, v4;
	v6 =	vmul.f32 v48, v6  }
0x151: {  	v49 =	vmul.f32 v13, v11;
	v51 =	vmul.f32 v14, v12  }
0x152: {  	v52 =	vmul.f32 v4, v10;
	v5 =	vmul.f32 v6, v5;
	v50 =	vpop (erf)  }
0x153: {  	v6 =	vmul.f32 v6, v6;
	v53 =	vpop (erf);
	v54 =	vmul.f32 v50, v9  }
0x154: {  	v5 =	vmul.f32 v5, v5;
	v55 =	vpop (erf);
	v57 =	vmul.f32 v53, v7  }
0x155: {  	v6 =	vmul.f32 v6, v6;
	v56 =	vmul.f32 v55, v8  }
0x156: {  	v2 =	vmul.f32 v54, v2;
	v9 =	vmul.f32 v54, v54  }
0x157: {  	v58 =	vmul.f32 v5, v5;
	v3 =	vmul.f32 v57, v3  }
0x158: {  	v6 =	vmul.f32 v6, v6;
	v7 =	vmul.f32 v57, v57  }
0x159: {  	v1 =	vmul.f32 v56, v1;
	v2 =	vmul.f32 v2, v2  }
0x15a: {  	v8 =	vmul.f32 v56, v56;
	v9 =	vmul.f32 v9, v9  }
0x15b: {  	v15 =	vmul.f32 v58, v5;
	v3 =	vmul.f32 v3, v3  }
0x15c: {  	v7 =	vmul.f32 v7, v7;
	v1 =	vmul.f32 v1, v1  }
0x15d: {  	v59 =	vmul.f32 v2, v2;
	v8 =	vmul.f32 v8, v8  }
0x15e: {  	v9 =	vmul.f32 v9, v9;
	v6 =	vmul.f32 v15, v6  }
0x15f: {  	v61 =	vmul.f32 v3, v3;
	v7 =	vmul.f32 v7, v7  }
0x160: {  	v60 =	vmul.f32 v1, v1;
	v15 =	vmul.f32 v59, v2  }
0x161: {  	v8 =	vmul.f32 v8, v8;
	v17 =	vmul.f32 v61, v3  }
0x162: {  	v11 =	vsel vm0, v49, v13;
	v16 =	vmul.f32 v60, v1;
	v9 =	vmul.f32 v15, v9  }
0x163: {  	s0 =	sadd.s32 $0x40, s13;
	v62 =	vsel vm0, v51, v14;
	[tilespmem:s21+$0x11E80] =	vst v11;
	v5 =	vmul.f32 v6, v5;
	v7 =	vmul.f32 v17, v7  }
0x164: {  	[tilespmem:s0+$0x0] =	vst v62;
	v4 =	vsel vm0, v52, v4;
	v8 =	vmul.f32 v16, v8;
	v2 =	vmul.f32 v9, v2  }
0x165: {  	[tilespmem:s22+$0x11E80] =	vst v4;
	v63 =	vsel vm0, v5, v6;
	v3 =	vmul.f32 v7, v3  }
0x166: {  	[tilespmem:s7+$0x11E80] =	vst v63;
	v1 =	vmul.f32 v8, v1;
	v2 =	vsel vm0, v2, v9  }
0x167: {  	s4 =	smul.u32 $0x320, s20;
	[tilespmem:s10+$0x11E80] =	vst v2;
	v2 =	vsel vm0, v3, v7  }
0x168: {  	s0 =	sadd.s32 $0x40, s0;
	[tilespmem:s8+$0x11E80] =	vst v2;
	v1 =	vsel vm0, v1, v8  }
0x169: {  	s31 =	simm.s32 $0x11E80;
	s28 =	sadd.s32 s3, s4;
	[tilespmem:s0+$0x0] =	vst v1  }
0x16a: {  	[hbm4b:s28+s5] =	stream.linear.scatter [tilespmem:s31], [sflag:$0x5], $0x1900, $0x38;
	[tilespmem:$0x15080] =	vst v63  }
.LBB2_8:
0x16b: {  	s19 =	sadd.s32 s15, s19  }
0x16c: {  	p1 =	sgt.u32 s19, $0x3E7  }
.Ltmp7:
0x16d: {  	_ = 	snop;
	(pc) =	sbr.rel @p1 .LBB2_12-.Ltmp7, $1  }
0x16e: {  	_ =	sdelay $0x3  }
0x16f: {  	p1 =	sgt.u32 s19, $0x3A7  }
0x170: {  	s0 =	sadd.s32 @!p1 $0x40, s19  }
0x171: {  	s4 =	smul.u32 @!p1 $0x640, s0  }
0x172: {  	s7 =	simm.s32 @!p1 $0x0  }
0x173: {  	s8 =	simm.s32 @!p1 $0x5680;
	s0 =	smul.u32 @!p1 $0x320, s0;
	s4 =	sadd.s32 @!p1 s1, s4  }
0x174: {  	[tilespmem:s8], [sflag:$0x2] =	stream.linear.gather @!p1 [hbm4b:s4+s7], $0x3200, $0x38;
	[tilespmem:$0x15080] =	vst v63  }
0x175: {  	s0 =	sadd.s32 @!p1 s2, s0;
	s4 =	simm.s32 @!p1 $0xD380  }
0x176: {  	[tilespmem:s4], [sflag:$0x2] =	stream.linear.gather @!p1 [hbm4b:s0+s7], $0x1900, $0x38;
	[tilespmem:$0x15080] =	vst v63  }
0x177: {  	_ =	swait.ge [sflag:s29], $0x3200  }
0x178: {  	[sflag:s29] =	ssyncset.done $0x0  }
0x179: {  	[sflag:s29] =	ssyncadd.s32 $0xFFFFCE00  }
0x17a: {  	_ =	swait.ge [sflag:s29], $0x1900  }
0x17b: {  	s23 =	simm.s32 $0x0;
	[sflag:s29] =	ssyncset.done $0x0  }
0x17c: {  	s28 =	simm.s32 $0x0;
	s0 =	simm.s32 @!p0 $0x6;
	[sflag:s29] =	ssyncadd.s32 $0xFFFFE700  }
0x17d: {  	s31 =	sand.u32 $0x40, s28;
	s4 =	sand.u32 $0x3F00, s23;
	_ =	swait.ge @!p0 [sflag:s0], $0x1900  }
0x17e: {  	s9 =	sor.u32 $0x30, s31;
	s4 =	sadd.s32 $0x8880, s4;
	[sflag:s0] =	ssyncset.done @!p0 $0x0  }
0x17f: {  	s16 =	sor.u32 $0x10, s31;
	s10 =	sor.u32 s9, s4;
	[sflag:s0] =	ssyncadd.s32 @!p0 $0xFFFFE700  }
0x180: {  	s11 =	sor.u32 s16, s4;
	v1 =	vld [tilespmem:s10+$0x0]  }
0x181: {  	s12 =	sor.u32 $0x20, s31;
	v2 =	vld [tilespmem:s11+$0x0]  }
0x182: {  	s13 =	sor.u32 s12, s4;
	v3 =	vld [tilespmem:s10+$0x80]  }
0x183: {  	s4 =	sor.u32 s31, s4;
	v4 =	vld [tilespmem:s13+$0x0]  }
0x184: {  	v5 =	vld [tilespmem:s4+$0x0]  }
0x185: {  	v6 =	vld [tilespmem:s11+$0x80];
	v1 =	vmul.u32 $0x5F, v1;
	_ =	sdelay $0x1  }
0x186: {  	v7 =	vld [tilespmem:s13+$0x80];
	v1 =	vadd.s32 v3, v1  }
0x187: {  	s17 =	sand.u32 $0x1F80, s28;
	v8 =	vld [tilespmem:s4+$0x80];
	v2 =	vmul.u32 $0x5F, v2  }
0x188: {  	s13 =	sor.u32 s17, s9  }
0x189: {  	s22 =	sor.u32 s17, s16;
	s16 =	sor.u32 s17, s12;
	v3 =	vmul.u32 $0x5F, v4;
	v4 =	vmul.u32 $0x5F, v5;
	v2 =	vadd.s32 v6, v2;
	v5 =	vld [tilespmem:s13+$0xEC80]  }
0x18a: {  	s21 =	simm.s32 $0x40;
	s8 =	simm.s32 $0x80;
	v9 =	vld [tilespmem:s16+$0xEC80]  }
0x18b: {  	s9 =	sand.u32 $0x40, s21;
	s4 =	sand.u32 $0x3F00, s8;
	v3 =	vadd.s32 v7, v3;
	v1 =	vld.idx.msk [tilespmem:v1+s5+$0x0], $0xffff  }
0x18c: {  	s20 =	simm.s32 $0xEC80;
	s4 =	sadd.s32 $0x8880, s4;
	s12 =	sor.u32 $0x30, s9;
	v4 =	vadd.s32 v8, v4;
	v8 =	vld [tilespmem:s22+$0xEC80]  }
0x18d: {  	s31 =	sor.u32 $0x20, s9;
	s23 =	sor.u32 s12, s4;
	v6 =	vld [tilespmem:s20+$0x0];
	s20 =	sor.u32 $0x10, s9  }
0x18e: {  	s17 =	sor.u32 s31, s4;
	s28 =	sor.u32 s20, s4;
	s4 =	sor.u32 s9, s4;
	v2 =	vld.idx.msk [tilespmem:v2+s5+$0x0], $0xffff;
	v7 =	vmul.f32 v5, v0  }
0x18f: {  	v14 =	vld [tilespmem:s4+$0x0]  }
0x190: {  	v3 =	vld.idx.msk [tilespmem:v3+s5+$0x0], $0xffff;
	v7 =	vadd.f32 v7, v1  }
0x191: {  	v18 =	vld [tilespmem:s4+$0x80];
	v10 =	vmul.f32 v8, v0  }
0x192: {  	v4 =	vld.idx.msk [tilespmem:v4+s5+$0x0], $0xffff;
	(erf) = vrcp.f32 v7  }
0x193: {  	v11 =	vmul.f32 v9, v0;
	v10 =	vadd.f32 v10, v2  }
0x194: {  	s21 =	sand.u32 $0x1F80, s21;
	v14 =	vmul.u32 $0x5F, v14  }
0x195: {  	s0 =	sor.u32 s21, s12;
	v13 =	vld [tilespmem:s17+$0x0];
	s20 =	sor.u32 s21, s20;
	s21 =	sor.u32 s21, s31;
	v7 =	vmul.f32 v6, v0;
	v11 =	vadd.f32 v11, v3;
	(erf) = vrcp.f32 v10  }
0x196: {  	v14 =	vadd.s32 v18, v14;
	v18 =	vld [tilespmem:s21+$0xEC80]  }
0x197: {  	v10 =	vld [tilespmem:s23+$0x0];
	v12 =	vadd.f32 v7, v4;
	(erf) = vrcp.f32 v11  }
0x198: {  	v11 =	vld [tilespmem:s28+$0x0]  }
0x199: {  	s11 =	simm.s32 $0xECC0;
	(erf) = vrcp.f32 v12;
	v12 =	vld [tilespmem:s23+$0x80]  }
0x19a: {  	v7 =	vld [tilespmem:s11+$0x0]  }
0x19b: {  	v16 =	vld [tilespmem:s28+$0x80];
	v15 =	vpop (erf)  }
0x19c: {  	v10 =	vmul.u32 $0x5F, v10;
	v1 =	vmul.f32 v15, v1  }
0x19d: {  	v20 =	vmul.f32 v18, v0;
	v15 =	vld [tilespmem:s17+$0x80]  }
0x19e: {  	v11 =	vmul.u32 $0x5F, v11;
	v10 =	vadd.s32 v12, v10;
	v12 =	vpop (erf);
	v5 =	vmul.f32 v1, v5  }
0x19f: {  	v13 =	vmul.u32 $0x5F, v13;
	v17 =	vmul.f32 v7, v0;
	v2 =	vmul.f32 v12, v2  }
0x1a0: {  	v11 =	vadd.s32 v16, v11;
	v16 =	vld [tilespmem:s20+$0xEC80];
	v12 =	vpop (erf);
	v1 =	vmul.f32 v1, v1;
	v5 =	vmul.f32 v5, v5  }
0x1a1: {  	v3 =	vmul.f32 v12, v3;
	v12 =	vld [tilespmem:s0+$0xEC80];
	v8 =	vmul.f32 v2, v8  }
0x1a2: {  	v19 =	vpop (erf);
	v1 =	vmul.f32 v1, v1;
	v13 =	vadd.s32 v15, v13;
	v15 =	vmul.f32 v5, v5  }
0x1a3: {  	v2 =	vmul.f32 v2, v2;
	v4 =	vmul.f32 v19, v4;
	v10 =	vld.idx.msk [tilespmem:v10+s5+$0x0], $0xffff  }
0x1a4: {  	v1 =	vmul.f32 v1, v1;
	v15 =	vmul.f32 v15, v5  }
0x1a5: {  	v9 =	vmul.f32 v3, v9;
	v19 =	vmul.f32 v16, v0  }
0x1a6: {  	v11 =	vld.idx.msk [tilespmem:v11+s5+$0x0], $0xffff;
	v15 =	vmul.f32 v15, v1;
	v1 =	vmul.f32 v12, v0  }
0x1a7: {  	v3 =	vmul.f32 v3, v3;
	v8 =	vmul.f32 v8, v8;
	v13 =	vld.idx.msk [tilespmem:v13+s5+$0x0], $0xffff  }
0x1a8: {  	v14 =	vld.idx.msk [tilespmem:v14+s5+$0x0], $0xffff;
	v2 =	vmul.f32 v2, v2;
	v6 =	vmul.f32 v4, v6;
	v1 =	vadd.f32 v1, v10  }
0x1a9: {  	v9 =	vmul.f32 v9, v9;
	v4 =	vmul.f32 v4, v4  }
0x1aa: {  	s9 =	simm.s32 $0x80;
	s11 =	simm.s32 $0x100;
	v3 =	vmul.f32 v3, v3;
	(erf) = vrcp.f32 v1  }
0x1ab: {  	s4 =	sand.u32 $0x40, s9;
	s23 =	sand.u32 $0x3F00, s11;
	v21 =	vmul.f32 v8, v8;
	v2 =	vmul.f32 v2, v2;
	v1 =	vadd.f32 v19, v11  }
0x1ac: {  	s8 =	sor.u32 $0x30, s4;
	s7 =	sadd.s32 $0x8880, s23;
	v6 =	vmul.f32 v6, v6;
	v22 =	vmul.f32 v9, v9;
	v20 =	vadd.f32 v20, v13  }
0x1ad: {  	s28 =	sor.u32 s8, s7;
	v17 =	vadd.f32 v17, v14;
	v4 =	vmul.f32 v4, v4;
	(erf) = vrcp.f32 v1  }
0x1ae: {  	v19 =	vmul.f32 v6, v6;
	(erf) = vrcp.f32 v20;
	v20 =	vld [tilespmem:s28+$0x0]  }
0x1af: {  	s17 =	sor.u32 $0x10, s4;
	(erf) = vrcp.f32 v17;
	v17 =	vmul.f32 v21, v8  }
0x1b0: {  	s23 =	sor.u32 s17, s7;
	v3 =	vmul.f32 v3, v3;
	v55 =	vmul.f32 v22, v9  }
0x1b1: {  	v23 =	vld [tilespmem:s23+$0x0];
	v24 =	vmul.f32 v4, v4;
	v19 =	vmul.f32 v19, v6  }
0x1b2: {  	v56 =	vld [tilespmem:s28+$0x80];
	v5 =	vmul.f32 v15, v5;
	v2 =	vmul.f32 v17, v2  }
0x1b3: {  	v58 =	vld [tilespmem:s23+$0x80];
	v3 =	vmul.f32 v55, v3;
	s28 =	sor.u32 $0x20, s4;
	s4 =	sor.u32 s4, s7;
	v19 =	vmul.f32 v19, v24;
	v20 =	vmul.u32 $0x5F, v20;
	v17 =	vpop (erf)  }
0x1b4: {  	v15 =	vsel vm0, v5, v15;
	s31 =	sor.u32 s28, s7;
	v5 =	vmul.f32 v2, v8;
	v8 =	vld [tilespmem:s4+$0x0];
	v10 =	vmul.f32 v17, v10  }
0x1b5: {  	s12 =	simm.s32 $0xED00;
	v9 =	vmul.f32 v3, v9;
	v57 =	vld [tilespmem:s31+$0x0]  }
0x1b6: {  	v59 =	vmul.u32 $0x5F, v23;
	v1 =	vld [tilespmem:s12+$0x0];
	v17 =	vmul.f32 v19, v6;
	v12 =	vmul.f32 v10, v12  }
0x1b7: {  	v60 =	vld [tilespmem:s31+$0x80];
	v6 =	vadd.s32 v56, v20;
	v25 =	vsel vm0, v5, v2;
	v20 =	vpop (erf);
	v2 =	vmul.f32 v10, v10  }
0x1b8: {  	v9 =	vsel vm0, v9, v3;
	v10 =	vld [tilespmem:s4+$0x80];
	v20 =	vmul.f32 v20, v11;
	v11 =	vpop (erf);
	v26 =	vmul.f32 v12, v12  }
0x1b9: {  	s31 =	sand.u32 $0x1F80, s9;
	v8 =	vmul.u32 $0x5F, v8;
	v5 =	vpop (erf);
	v61 =	vmul.f32 v11, v13;
	v3 =	vmul.f32 v2, v2  }
0x1ba: {  	s7 =	sor.u32 s31, s8;
	v12 =	vmul.u32 $0x5F, v57;
	v14 =	vmul.f32 v5, v14;
	v13 =	vmul.f32 v20, v16  }
0x1bb: {  	s10 =	sor.u32 s31, s17;
	v5 =	vld [tilespmem:s7+$0xEC80];
	v11 =	vmul.f32 v26, v26;
	v16 =	vmul.f32 v61, v18;
	v18 =	vadd.s32 v58, v59  }
0x1bc: {  	[tilespmem:s13+$0x13780] =	vst v15;
	v4 =	vmul.f32 v1, v0;
	v2 =	vld [tilespmem:s10+$0xEC80];
	v15 =	vadd.s32 v60, v12  }
0x1bd: {  	s8 =	sor.u32 s31, s28;
	v6 =	vld.idx.msk [tilespmem:v6+s5+$0x0], $0xffff;
	v63 =	vmul.f32 v3, v3;
	v8 =	vadd.s32 v10, v8;
	v62 =	vmul.f32 v11, v26  }
0x1be: {  	v3 =	vld [tilespmem:s8+$0xEC80];
	v7 =	vmul.f32 v14, v7;
	v14 =	vmul.f32 v14, v14  }
0x1bf: {  	s13 =	simm.s32 $0x13780;
	[tilespmem:s16+$0x13780] =	vst v9;
	v9 =	vsel vm0, v17, v19;
	v11 =	vmul.f32 v13, v13;
	v21 =	vmul.f32 v62, v63  }
0x1c0: {  	[tilespmem:s13+$0x0] =	vst v9;
	v10 =	vmul.f32 v16, v16;
	v16 =	vmul.f32 v5, v0;
	v9 =	vld.idx.msk [tilespmem:v18+s5+$0x0], $0xffff  }
0x1c1: {  	v12 =	vmul.f32 v7, v7;
	v7 =	vld.idx.msk [tilespmem:v15+s5+$0x0], $0xffff;
	v19 =	vmul.f32 v21, v26  }
0x1c2: {  	v13 =	vmul.f32 v20, v20;
	v18 =	vmul.f32 v2, v0;
	v20 =	vadd.f32 v16, v6;
	v8 =	vld.idx.msk [tilespmem:v8+s5+$0x0], $0xffff  }
0x1c3: {  	[tilespmem:s22+$0x13780] =	vst v25;
	v17 =	vmul.f32 v3, v0;
	v15 =	vmul.f32 v11, v11;
	v19 =	vsel vm0, v19, v21  }
0x1c4: {  	v16 =	vmul.f32 v61, v61;
	(erf) = vrcp.f32 v20;
	[tilespmem:s0+$0x13780] =	vst v19  }
.LBB2_10:
0x1c5: {  	s9 =	sadd.s32 $0x40, s9;
	v18 =	vadd.f32 v18, v9;
	s12 =	sadd.s32 $0x40, s12;
	s11 =	sadd.s32 $0x80, s11;
	v19 =	vmul.f32 v12, v12;
	v20 =	vmul.f32 v10, v10  }
0x1c6: {  	v17 =	vadd.f32 v17, v7;
	v13 =	vmul.f32 v13, v13;
	v16 =	vmul.f32 v16, v16;
	s4 =	sand.u32 $0x40, s9;
	s0 =	sand.u32 $0x3F00, s11;
	p0 =	slt.u32 s9, $0x18C0  }
0x1c7: {  	v14 =	vmul.f32 v14, v14;
	v4 =	vadd.f32 v4, v8;
	s17 =	sadd.s32 $0x8880, s0;
	v21 =	vld [tilespmem:s12+$0x0];
	s16 =	sor.u32 $0x10, s4;
	s0 =	sor.u32 $0x30, s4;
	(erf) = vrcp.f32 v18  }
0x1c8: {  	v15 =	vmul.f32 v15, v11;
	s23 =	sor.u32 $0x20, s4;
	s22 =	sor.u32 s16, s17;
	s28 =	sor.u32 s0, s17;
	(erf) = vrcp.f32 v17  }
0x1c9: {  	v18 =	vmul.f32 v20, v10;
	s4 =	sor.u32 s4, s17;
	s17 =	sor.u32 s23, s17;
	v17 =	vld [tilespmem:s28+$0x0];
	(erf) = vrcp.f32 v4  }
0x1ca: {  	v19 =	vmul.f32 v19, v12;
	v13 =	vmul.f32 v13, v13;
	v20 =	vld [tilespmem:s22+$0x0]  }
0x1cb: {  	v14 =	vmul.f32 v14, v14;
	v16 =	vmul.f32 v16, v16;
	v22 =	vld [tilespmem:s28+$0x80]  }
0x1cc: {  	v13 =	vmul.f32 v15, v13;
	v4 =	vmul.f32 v21, v0;
	v23 =	vld [tilespmem:s17+$0x0]  }
0x1cd: {  	v14 =	vmul.f32 v19, v14;
	v16 =	vmul.f32 v18, v16;
	v15 =	vld [tilespmem:s4+$0x0];
	v24 =	vpop (erf)  }
0x1ce: {  	v11 =	vmul.f32 v13, v11;
	v18 =	vld [tilespmem:s22+$0x80];
	v17 =	vmul.u32 $0x5F, v17;
	v6 =	vmul.f32 v24, v6  }
0x1cf: {  	v12 =	vmul.f32 v14, v12;
	v10 =	vmul.f32 v16, v10;
	v19 =	vmul.u32 $0x5F, v20;
	v20 =	vld [tilespmem:s17+$0x80]  }
0x1d0: {  	v11 =	vsel vm0, v11, v13;
	v24 =	vld [tilespmem:s4+$0x80];
	v17 =	vadd.s32 v22, v17;
	v25 =	vmul.f32 v6, v5;
	v22 =	vpop (erf)  }
0x1d1: {  	v10 =	vsel vm0, v10, v16;
	v13 =	vmul.u32 $0x5F, v23;
	v22 =	vmul.f32 v22, v9;
	v9 =	vpop (erf);
	[tilespmem:s20+$0x13780] =	vst v11;
	s20 =	smov.u32 s10  }
0x1d2: {  	s4 =	sand.u32 $0x1F80, s9;
	v6 =	vmul.f32 v6, v6;
	v11 =	vmul.u32 $0x5F, v15;
	v15 =	vmul.f32 v25, v25;
	v5 =	vpop (erf);
	[tilespmem:s21+$0x13780] =	vst v10;
	s21 =	smov.u32 s8  }
0x1d3: {  	s10 =	sor.u32 s4, s16;
	s0 =	sor.u32 s4, s0;
	s8 =	sor.u32 s4, s23;
	v16 =	vmul.f32 v9, v7;
	v10 =	vadd.s32 v18, v19;
	v19 =	vmul.f32 v5, v8  }
0x1d4: {  	v8 =	vmul.f32 v6, v6;
	v7 =	vadd.s32 v20, v13;
	v5 =	vld [tilespmem:s0+$0xEC80];
	v9 =	vmul.f32 v15, v15  }
0x1d5: {  	v13 =	vadd.s32 v24, v11;
	v6 =	vld.idx.msk [tilespmem:v17+s5+$0x0], $0xffff;
	v11 =	vmul.f32 v22, v2;
	v17 =	vmul.f32 v16, v3  }
0x1d6: {  	s13 =	sadd.s32 $0x40, s13;
	v8 =	vmul.f32 v8, v8;
	v2 =	vld [tilespmem:s10+$0xEC80];
	v18 =	vmul.f32 v9, v15;
	v9 =	vsel vm0, v12, v14  }
0x1d7: {  	v12 =	vmul.f32 v19, v1;
	v1 =	vmov v21;
	v3 =	vld [tilespmem:s8+$0xEC80];
	v11 =	vmul.f32 v11, v11;
	[tilespmem:s13+$0x0] =	vst v9  }
0x1d8: {  	v9 =	vld.idx.msk [tilespmem:v10+s5+$0x0], $0xffff;
	v10 =	vmul.f32 v17, v17;
	v20 =	vmul.f32 v18, v8  }
.Ltmp8:
0x1d9: {  	v12 =	vmul.f32 v12, v12;
	v7 =	vld.idx.msk [tilespmem:v7+s5+$0x0], $0xffff;
	v14 =	vmul.f32 v5, v0;
	(pc) =	sbr.rel @p0 .LBB2_10-.Ltmp8, $4  }
0x1da: {  	v8 =	vld.idx.msk [tilespmem:v13+s5+$0x0], $0xffff;
	v13 =	vmul.f32 v22, v22;
	v15 =	vmul.f32 v20, v15  }
0x1db: {  	v16 =	vmul.f32 v16, v16;
	v18 =	vmul.f32 v2, v0;
	v21 =	vadd.f32 v14, v6  }
0x1dc: {  	v14 =	vmul.f32 v19, v19;
	v17 =	vmul.f32 v3, v0;
	v19 =	vsel vm0, v15, v20  }
0x1dd: {  	v15 =	vmul.f32 v11, v11;
	(erf) = vrcp.f32 v21;
	[tilespmem:s7+$0x13780] =	vst v19;
	s7 =	smov.u32 s0  }
0x1de: {  	v18 =	vadd.f32 v18, v9  }
0x1df: {  	v17 =	vadd.f32 v17, v7;
	v19 =	vmul.f32 v12, v12;
	v44 =	vmul.f32 v10, v10  }
0x1e0: {  	v13 =	vmul.f32 v13, v13;
	v4 =	vadd.f32 v4, v8;
	(erf) = vrcp.f32 v18  }
0x1e1: {  	v45 =	vmul.f32 v16, v16;
	(erf) = vrcp.f32 v17  }
0x1e2: {  	v14 =	vmul.f32 v14, v14;
	(erf) = vrcp.f32 v4  }
0x1e3: {  	v15 =	vmul.f32 v15, v11;
	v47 =	vmul.f32 v19, v12  }
0x1e4: {  	v13 =	vmul.f32 v13, v13;
	v14 =	vmul.f32 v14, v14  }
0x1e5: {  	v46 =	vmul.f32 v44, v10;
	v4 =	vmul.f32 v45, v45  }
0x1e6: {  	v13 =	vmul.f32 v15, v13;
	v14 =	vmul.f32 v47, v14;
	v48 =	vpop (erf)  }
0x1e7: {  	v4 =	vmul.f32 v46, v4;
	v6 =	vmul.f32 v48, v6  }
0x1e8: {  	v49 =	vmul.f32 v13, v11;
	v51 =	vmul.f32 v14, v12  }
0x1e9: {  	v52 =	vmul.f32 v4, v10;
	v5 =	vmul.f32 v6, v5;
	v50 =	vpop (erf)  }
0x1ea: {  	v6 =	vmul.f32 v6, v6;
	v53 =	vpop (erf);
	v54 =	vmul.f32 v50, v9  }
0x1eb: {  	v5 =	vmul.f32 v5, v5;
	v55 =	vpop (erf);
	v57 =	vmul.f32 v53, v7  }
0x1ec: {  	v6 =	vmul.f32 v6, v6;
	v56 =	vmul.f32 v55, v8  }
0x1ed: {  	v2 =	vmul.f32 v54, v2;
	v9 =	vmul.f32 v54, v54  }
0x1ee: {  	v58 =	vmul.f32 v5, v5;
	v3 =	vmul.f32 v57, v3  }
0x1ef: {  	v6 =	vmul.f32 v6, v6;
	v7 =	vmul.f32 v57, v57  }
0x1f0: {  	v1 =	vmul.f32 v56, v1;
	v2 =	vmul.f32 v2, v2  }
0x1f1: {  	v8 =	vmul.f32 v56, v56;
	v9 =	vmul.f32 v9, v9  }
0x1f2: {  	v15 =	vmul.f32 v58, v5;
	v3 =	vmul.f32 v3, v3  }
0x1f3: {  	v7 =	vmul.f32 v7, v7;
	v1 =	vmul.f32 v1, v1  }
0x1f4: {  	v59 =	vmul.f32 v2, v2;
	v8 =	vmul.f32 v8, v8  }
0x1f5: {  	v9 =	vmul.f32 v9, v9;
	v6 =	vmul.f32 v15, v6  }
0x1f6: {  	v61 =	vmul.f32 v3, v3;
	v7 =	vmul.f32 v7, v7  }
0x1f7: {  	v60 =	vmul.f32 v1, v1;
	v15 =	vmul.f32 v59, v2  }
0x1f8: {  	v8 =	vmul.f32 v8, v8;
	v17 =	vmul.f32 v61, v3  }
0x1f9: {  	v11 =	vsel vm0, v49, v13;
	v16 =	vmul.f32 v60, v1;
	v9 =	vmul.f32 v15, v9  }
0x1fa: {  	s0 =	sadd.s32 $0x40, s13;
	v62 =	vsel vm0, v51, v14;
	[tilespmem:s20+$0x13780] =	vst v11;
	v5 =	vmul.f32 v6, v5;
	v7 =	vmul.f32 v17, v7  }
0x1fb: {  	[tilespmem:s0+$0x0] =	vst v62;
	v4 =	vsel vm0, v52, v4;
	v8 =	vmul.f32 v16, v8;
	v2 =	vmul.f32 v9, v2  }
0x1fc: {  	[tilespmem:s21+$0x13780] =	vst v4;
	v63 =	vsel vm0, v5, v6;
	v3 =	vmul.f32 v7, v3  }
.Ltmp9:
0x1fd: {  	[tilespmem:s7+$0x13780] =	vst v63;
	v1 =	vmul.f32 v8, v1;
	v2 =	vsel vm0, v2, v9;
	(pc) =	sbr.rel .LBB2_12-.Ltmp9, $4  }
0x1fe: {  	s4 =	smul.u32 $0x320, s19;
	[tilespmem:s10+$0x13780] =	vst v2;
	v2 =	vsel vm0, v3, v7  }
0x1ff: {  	s0 =	sadd.s32 $0x40, s0;
	[tilespmem:s8+$0x13780] =	vst v2;
	v1 =	vsel vm0, v1, v8  }
0x200: {  	s31 =	sadd.s32 s3, s4;
	[tilespmem:s0+$0x0] =	vst v1  }
0x201: {  	[hbm4b:s31+s5] =	stream.linear.scatter [tilespmem:s30], [sflag:$0x6], $0x1900, $0x38;
	[tilespmem:$0x15080] =	vst v63  }
.LBB2_14:
0x202: {  	_ =	sfence.sel $0x180000  }
0x203: {  	[bflag:$0x0] =	sbarrier.arrive $0xFFFF  }
0x204: {  	_ =	strace $0x90000047  }
0x205: {  	s0 =	stileid.u32;
	[bflag:$0x2] =	sbarrier.arrive $0xFFFF  }
0x206: {  	p0 =	sne.s32 s0, $0x0;
	s0 =	rddreg [dreg:$0x4]  }
0x207: {  	s0 =	sadd.s32 @!p0 $0x100000, s0  }
0x208: {  	[sflag:s0] =	ssyncadd.tile.s32 @!p0 $0x1;
	_ =	shalt  }
.Lfunc_end2:
_tile_overlayer_lowered:
.L_overlay_start_2:
0x209: {  	(tag) =	ssettag $0x2  }
0x20a: {  	s0 =	rddreg [dreg:$0x0];
	s2 =	stileid.u32  }
0x20b: {  	s1 =	rddreg [dreg:$0x1];
	p0 =	sne.s32 s2, $0x0  }
0x20c: {  	s3 =	rddreg [dreg:$0x2];
	[bflag:$0x3] =	sbarrier.arrive $0xFFFF;
	s2 =	simm.s32 @!p0 $0x1C08  }
0x20d: {  	[timem:s3], [sflag:s2] =	dma.local @!p0 [hbm:s0], s1  }
0x20e: {  	s0 =	simm.s32 @!p0 $0x8  }
0x20f: {  	_ =	swait.ge @!p0 [sflag:s0], s1  }
0x210: {  	s1 =	ssub.s32 @!p0 $0x0, s1;
	[sflag:s0] =	ssyncset.done @!p0 $0x0  }
0x211: {  	[sflag:s0] =	ssyncadd.s32 @!p0 s1  }
0x212: {  	[bflag:$0x3] =	sbarrier.arrive $0xFFFF  }
0x213: {  	_ =	shalt  }

</sc_bundles>
